<compile_context>
chip_gen: v7x
topology: tpu7x:2x2x1
jax: 0.10.2.dev20260603
libtpu: 0.0.44.dev20260713+nightly
codegen_flags: <defaults>
</compile_context>

<pallas_src>
import functools

import jax
import jax.numpy as jnp
from jax import lax
from jax.experimental import pallas as pl
from jax.experimental.pallas import tpu as pltpu
from jax.experimental.pallas import tpu_sc as plsc

HALF = 64
ROW = 8 * HALF
RROW = 2 * 128
L = 16
C = 32

O_ES, O_EO, O_FS, O_FO, O_PS, O_PO, O_AS, O_AO = (i * HALF for i in range(8))

S0 = 0.9907771386372385
S1 = -0.15730665145044462
S2 = 0.005898924284460292


def _sin_poly(x):
    x2 = x * x
    p = jnp.float32(S2)
    p = jnp.float32(S1) + x2 * p
    p = jnp.float32(S0) + x2 * p
    return x * p


def _make_sc_kernel(n_tuples):
    info = plsc.get_sparse_core_info()
    nc, ns = info.num_cores, info.num_subcores
    nw = nc * ns
    per_w = n_tuples // nw
    assert per_w * nw == n_tuples and per_w % (4 * C) == 0
    n_chunks = per_w // C
    n_quads = n_chunks // 4

    mesh = plsc.VectorSubcoreMesh(core_axis_name="c", subcore_axis_name="s")

    @functools.partial(
        pl.kernel,
        mesh=mesh,
        compiler_params=pltpu.CompilerParams(needs_layout_passes=False),
        out_type=jax.ShapeDtypeStruct((n_tuples,), jnp.float32),
        scratch_types=[
            pltpu.VMEM((4, C), jnp.int32),
            pltpu.VMEM((4, C), jnp.int32),
            pltpu.VMEM((4, C), jnp.int32),
            pltpu.VMEM((4, C), jnp.int32),
            pltpu.VMEM((C, ROW), jnp.float32),
            pltpu.VMEM((C, ROW), jnp.float32),
            pltpu.VMEM((C, ROW), jnp.float32),
            pltpu.VMEM((C, ROW), jnp.float32),
            pltpu.VMEM((C, RROW), jnp.float32),
            pltpu.VMEM((C, RROW), jnp.float32),
            pltpu.VMEM((C,), jnp.float32),
            pltpu.VMEM((C,), jnp.float32),
            pltpu.VMEM((L,), jnp.float32),
            pltpu.VMEM((L * L,), jnp.float32),
            pltpu.SemaphoreType.DMA,
            pltpu.SemaphoreType.DMA,
            pltpu.SemaphoreType.DMA,
            pltpu.SemaphoreType.DMA,
            pltpu.SemaphoreType.DMA,
            pltpu.SemaphoreType.DMA,
            pltpu.SemaphoreType.DMA,
            pltpu.SemaphoreType.DMA,
        ],
    )
    def k(pk_hbm, w_hbm, rw_hbm, out_hbm,
          pidx0, pidx1, pidx2, pidx3, ws0, ws1, wo0, wo1, rw0, rw1,
          ob0, ob1, tconv, accbuf,
          isem0, isem1, isem2, isem3, gsem0, gsem1, osem0, osem1):
        wid = lax.axis_index("s") * nc + lax.axis_index("c")
        base_chunk = wid * n_chunks

        pring = ((pidx0, isem0), (pidx1, isem1), (pidx2, isem2), (pidx3, isem3))
        gring = ((ws0, wo0, rw0, ob0, gsem0, osem0),
                 (ws1, wo1, rw1, ob1, gsem1, osem1))

        def idx_issue(kchunk, pslot):
            pidx, isem = pring[pslot]
            pltpu.async_copy(pk_hbm.at[kchunk], pidx, isem)

        def gather_issue(pslot, gslot):
            pidx, isem = pring[pslot]
            ws, wo, rw, _, gsem, _ = gring[gslot]
            pltpu.make_async_copy(pk_hbm.at[0], pidx, isem).wait()
            pltpu.async_copy(w_hbm.at[pidx.at[0]], ws, gsem)
            pltpu.async_copy(w_hbm.at[pidx.at[1]], wo, gsem)
            pltpu.async_copy(rw_hbm.at[pidx.at[2]], rw, gsem)

        def drain_gathers(gslot):
            ws, wo, rw, _, gsem, _ = gring[gslot]
            pltpu.make_async_copy(w_hbm.at[pl.ds(0, C)], ws, gsem).wait()
            pltpu.make_async_copy(w_hbm.at[pl.ds(0, C)], wo, gsem).wait()
            pltpu.make_async_copy(rw_hbm.at[pl.ds(0, C)], rw, gsem).wait()

        def drain_out(gslot, kchunk):
            ob, osem = gring[gslot][3], gring[gslot][5]
            pltpu.make_async_copy(
                ob, out_hbm.at[pl.ds(kchunk * C, C)], osem).wait()

        def compute(pslot, gslot, kchunk):
            pidx = pring[pslot][0]
            ws, wo, rw, ob, _, osem = gring[gslot]
            base = kchunk * C
            for j in range(C // L):
                j16 = j * L
                out16 = (ws[0, pl.ds(j16, L)] + wo[0, pl.ds(j16, L)]
                         + rw[0, pl.ds(j16, L)]
                         + pidx[3, pl.ds(j16, L)].astype(jnp.float32))
                ob[pl.ds(j16, L)] = out16
            pltpu.async_copy(ob, out_hbm.at[pl.ds(base, C)], osem)

        idx_issue(base_chunk + 0, 0)
        idx_issue(base_chunk + 1, 1)
        idx_issue(base_chunk + 2, 2)
        gather_issue(0, 0)

        def quad_body(qi, carry):
            lk0 = 4 * qi
            for c in range(4):
                lk = lk0 + c
                kchunk = base_chunk + lk

                @pl.when(lk + 1 < n_chunks)
                def _():
                    gather_issue((c + 1) % 4, (c + 1) % 2)
                drain_gathers(c % 2)

                @pl.when(lk >= 2)
                def _():
                    drain_out(c % 2, kchunk - 2)
                compute(c, c % 2, kchunk)

                @pl.when(lk + 3 < n_chunks)
                def _():
                    idx_issue(kchunk + 3, (c + 3) % 4)
            return carry

        lax.fori_loop(0, n_quads, quad_body, 0)
        last = base_chunk + n_chunks
        drain_out(0, last - 2)
        drain_out(1, last - 1)

    return k


def kernel(s, r, o, t, E_s, E_o, R, R_inv, freq_s, freq_o, phi_s, phi_o, amp_s, amp_o):
    b, x = s.shape
    n = b * x
    w = jnp.concatenate(
        [E_s, E_o, freq_s, freq_o, phi_s, phi_o, amp_s, amp_o], axis=1)
    rwt = jnp.concatenate([R, R_inv], axis=1)
    pk = jnp.stack(
        [s.reshape(n // C, C), o.reshape(n // C, C),
         r.reshape(n // C, C), t[:, :, 0].reshape(n // C, C)], axis=1)
    out = _make_sc_kernel(n)(pk, w, rwt)
    return out.reshape(b, x)

# --- scband reference (transcript-rebuilt; emitter-appended) ---
"""Pipeline reference for scband-de-simpl-e-69002944577716 (READ-ONLY COPY).

The authoritative reference and input builder live on the scoring server;
editing this copy changes nothing except your own understanding.
"""

import jax, jax.numpy as jnp
import numpy as np

ENTITY = 100000
REL = 500
DIM = 128
HALF = DIM // 2
T_COUNT = 366
B, X = 4096, 200


def setup_inputs(seed: int = 0) -> dict:
    key = jax.random.key(seed)
    ks = jax.random.split(key, 16)
    inp = {}
    inp['s'] = jax.random.randint(ks[0], (B, X), 0, ENTITY, dtype=jnp.int32)
    inp['r'] = jax.random.randint(ks[1], (B, X), 0, REL, dtype=jnp.int32)
    inp['o'] = jax.random.randint(ks[2], (B, X), 0, ENTITY, dtype=jnp.int32)
    inp['t'] = jax.random.randint(ks[3], (B, X, 6), 0, T_COUNT - 1, dtype=jnp.int32)
    # entity / relation embeddings: normal(0, 0.05)
    inp['E_s'] = 0.05 * jax.random.normal(ks[4], (ENTITY, HALF), dtype=jnp.float32)
    inp['E_o'] = 0.05 * jax.random.normal(ks[5], (ENTITY, HALF), dtype=jnp.float32)
    inp['R'] = 0.05 * jax.random.normal(ks[6], (REL, DIM), dtype=jnp.float32)
    inp['R_inv'] = 0.05 * jax.random.normal(ks[7], (REL, DIM), dtype=jnp.float32)
    # time embeddings: xavier_uniform
    bound = float(np.sqrt(6.0 / (ENTITY + HALF)))
    inp['freq_s'] = jax.random.uniform(ks[8], (ENTITY, HALF), dtype=jnp.float32, minval=-bound, maxval=bound)
    inp['freq_o'] = jax.random.uniform(ks[9], (ENTITY, HALF), dtype=jnp.float32, minval=-bound, maxval=bound)
    inp['phi_s'] = jax.random.uniform(ks[10], (ENTITY, HALF), dtype=jnp.float32, minval=-bound, maxval=bound)
    inp['phi_o'] = jax.random.uniform(ks[11], (ENTITY, HALF), dtype=jnp.float32, minval=-bound, maxval=bound)
    inp['amp_s'] = jax.random.uniform(ks[12], (ENTITY, HALF), dtype=jnp.float32, minval=-bound, maxval=bound)
    inp['amp_o'] = jax.random.uniform(ks[13], (ENTITY, HALF), dtype=jnp.float32, minval=-bound, maxval=bound)
    return inp


def _distmult_3way_simple(a, b, c):
    return jnp.sum(a * b * c, axis=-1)


def reference(s, r, o, t, E_s, E_o, R, R_inv, freq_s, freq_o, phi_s, phi_o, amp_s, amp_o):
    # t has trailing dim == len(time_index) == 6, take t_s (index 0)
    t_values = t[:, :, 0].astype(jnp.float32)[..., None]  # [B, X, 1]
    s_e_h = jnp.take(E_s, s, axis=0)
    s_e_t = jnp.take(E_s, o, axis=0)
    r_e = jnp.take(R, r, axis=0)
    o_e_t = jnp.take(E_o, o, axis=0)
    o_e_h = jnp.take(E_o, s, axis=0)
    r_e_inv = jnp.take(R_inv, r, axis=0)
    ti_s_h = jnp.take(amp_s, s, axis=0) * jnp.sin(jnp.take(freq_s, s, axis=0) * t_values + jnp.take(phi_s, s, axis=0))
    ti_s_t = jnp.take(amp_s, o, axis=0) * jnp.sin(jnp.take(freq_s, o, axis=0) * t_values + jnp.take(phi_s, o, axis=0))
    ti_o_t = jnp.take(amp_o, o, axis=0) * jnp.sin(jnp.take(freq_o, o, axis=0) * t_values + jnp.take(phi_o, o, axis=0))
    ti_o_h = jnp.take(amp_o, s, axis=0) * jnp.sin(jnp.take(freq_o, s, axis=0) * t_values + jnp.take(phi_o, s, axis=0))
    s_e_h_ti = jnp.concatenate((s_e_h, ti_s_h), axis=2)
    s_e_t_ti = jnp.concatenate((s_e_t, ti_s_t), axis=2)
    o_e_t_ti = jnp.concatenate((o_e_t, ti_o_t), axis=2)
    o_e_h_ti = jnp.concatenate((o_e_h, ti_o_h), axis=2)
    result = _distmult_3way_simple(s_e_h_ti, r_e, o_e_t_ti)
    result_inv = _distmult_3way_simple(o_e_h_ti, r_e_inv, s_e_t_ti)
    score = (result + result_inv) / 2.0
    # dropout p=0.0 -> identity
    return score

if __name__ == "__main__":
    import jax
    _d = setup_inputs()
    print(jax.jit(kernel)(*tuple(_d.values())))

</pallas_src>

<mosaic_0001>
#map = affine_map<(d0, d1) -> (0, 0, 0)>
#map1 = affine_map<(d0, d1) -> (0, 0)>
#map2 = affine_map<(d0, d1) -> (0)>
module attributes {stable_mosaic.version = 14 : i64} {
  func.func @k(%arg0: i32, %arg1: i32, %arg2: memref<25600x4x32xi32, #tpu.memory_space<hbm>>, %arg3: memref<100000x512xf32, #tpu.memory_space<hbm>>, %arg4: memref<500x256xf32, #tpu.memory_space<hbm>>, %arg5: memref<819200xf32, #tpu.memory_space<hbm>>, %arg6: memref<4x32xi32, #tpu.memory_space<vmem>>, %arg7: memref<4x32xi32, #tpu.memory_space<vmem>>, %arg8: memref<4x32xi32, #tpu.memory_space<vmem>>, %arg9: memref<4x32xi32, #tpu.memory_space<vmem>>, %arg10: memref<32x512xf32, #tpu.memory_space<vmem>>, %arg11: memref<32x512xf32, #tpu.memory_space<vmem>>, %arg12: memref<32x512xf32, #tpu.memory_space<vmem>>, %arg13: memref<32x512xf32, #tpu.memory_space<vmem>>, %arg14: memref<32x256xf32, #tpu.memory_space<vmem>>, %arg15: memref<32x256xf32, #tpu.memory_space<vmem>>, %arg16: memref<32xf32, #tpu.memory_space<vmem>>, %arg17: memref<32xf32, #tpu.memory_space<vmem>>, %arg18: memref<16xf32, #tpu.memory_space<vmem>>, %arg19: memref<256xf32, #tpu.memory_space<vmem>>, %arg20: memref<!tpu.dma_semaphore, #tpu.memory_space<semaphore_mem>>, %arg21: memref<!tpu.dma_semaphore, #tpu.memory_space<semaphore_mem>>, %arg22: memref<!tpu.dma_semaphore, #tpu.memory_space<semaphore_mem>>, %arg23: memref<!tpu.dma_semaphore, #tpu.memory_space<semaphore_mem>>, %arg24: memref<!tpu.dma_semaphore, #tpu.memory_space<semaphore_mem>>, %arg25: memref<!tpu.dma_semaphore, #tpu.memory_space<semaphore_mem>>, %arg26: memref<!tpu.dma_semaphore, #tpu.memory_space<semaphore_mem>>, %arg27: memref<!tpu.dma_semaphore, #tpu.memory_space<semaphore_mem>>) attributes {dimension_semantics = [#tpu.dimension_semantics<core_parallel>, #tpu.dimension_semantics<subcore_parallel>], iteration_bounds = array<i64: 2, 16>, scalar_prefetch = 0 : i64, scratch_operands = 22 : i64, tpu.core_type = #tpu.core_type<sc_vector_subcore>, window_params = [{transform_indices = #map}, {transform_indices = #map1}, {transform_indices = #map1}, {transform_indices = #map2}]} {
    %mul3A = arith.constant 2 : i32
    %mul3A_0 = arith.muli %arg1, %mul3A : i32
    %add3A = arith.addi %mul3A_0, %arg0 : i32
    %mul3A_1 = arith.constant 800 : i32
    %mul3A_2 = arith.muli %add3A, %mul3A_1 : i32
    %add3A_3 = arith.constant 0 : i32
    %add3A_4 = arith.addi %mul3A_2, %add3A_3 : i32
    %dma_start3A = arith.constant 0 : i32
    %dma_start3A_5 = arith.constant 0 : i32
    %dma_start3A_6 = tpu.memref_slice %arg2[%add3A_4, %dma_start3A, %dma_start3A_5] : memref<25600x4x32xi32, #tpu.memory_space<hbm>> -> memref<1x4x32xi32, #tpu.memory_space<hbm>>
    %dma_start3A_7 = tpu.memref_squeeze %dma_start3A_6 : memref<1x4x32xi32, #tpu.memory_space<hbm>> -> memref<4x32xi32, #tpu.memory_space<hbm>>
    %dma_start3A_8 = arith.constant 0 : i32
    %dma_start3A_9 = arith.constant 0 : i32
    %dma_start3A_10 = tpu.memref_slice %arg2[%add3A_4, %dma_start3A_8, %dma_start3A_9] : memref<25600x4x32xi32, #tpu.memory_space<hbm>> -> memref<1x4x32xi32, #tpu.memory_space<hbm>>
    %dma_start3A_11 = tpu.memref_squeeze %dma_start3A_10 : memref<1x4x32xi32, #tpu.memory_space<hbm>> -> memref<4x32xi32, #tpu.memory_space<hbm>>
    tpu.enqueue_dma source(%dma_start3A_11 : memref<4x32xi32, #tpu.memory_space<hbm>>) target(%arg6 : memref<4x32xi32, #tpu.memory_space<vmem>>) target_semaphore(%arg20 : memref<!tpu.dma_semaphore, #tpu.memory_space<semaphore_mem>>)
    %add3A_12 = arith.constant 1 : i32
    %add3A_13 = arith.addi %mul3A_2, %add3A_12 : i32
    %dma_start3A_14 = arith.constant 0 : i32
    %dma_start3A_15 = arith.constant 0 : i32
    %dma_start3A_16 = tpu.memref_slice %arg2[%add3A_13, %dma_start3A_14, %dma_start3A_15] : memref<25600x4x32xi32, #tpu.memory_space<hbm>> -> memref<1x4x32xi32, #tpu.memory_space<hbm>>
    %dma_start3A_17 = tpu.memref_squeeze %dma_start3A_16 : memref<1x4x32xi32, #tpu.memory_space<hbm>> -> memref<4x32xi32, #tpu.memory_space<hbm>>
    %dma_start3A_18 = arith.constant 0 : i32
    %dma_start3A_19 = arith.constant 0 : i32
    %dma_start3A_20 = tpu.memref_slice %arg2[%add3A_13, %dma_start3A_18, %dma_start3A_19] : memref<25600x4x32xi32, #tpu.memory_space<hbm>> -> memref<1x4x32xi32, #tpu.memory_space<hbm>>
    %dma_start3A_21 = tpu.memref_squeeze %dma_start3A_20 : memref<1x4x32xi32, #tpu.memory_space<hbm>> -> memref<4x32xi32, #tpu.memory_space<hbm>>
    tpu.enqueue_dma source(%dma_start3A_21 : memref<4x32xi32, #tpu.memory_space<hbm>>) target(%arg7 : memref<4x32xi32, #tpu.memory_space<vmem>>) target_semaphore(%arg21 : memref<!tpu.dma_semaphore, #tpu.memory_space<semaphore_mem>>)
    %add3A_22 = arith.constant 2 : i32
    %add3A_23 = arith.addi %mul3A_2, %add3A_22 : i32
    %dma_start3A_24 = arith.constant 0 : i32
    %dma_start3A_25 = arith.constant 0 : i32
    %dma_start3A_26 = tpu.memref_slice %arg2[%add3A_23, %dma_start3A_24, %dma_start3A_25] : memref<25600x4x32xi32, #tpu.memory_space<hbm>> -> memref<1x4x32xi32, #tpu.memory_space<hbm>>
    %dma_start3A_27 = tpu.memref_squeeze %dma_start3A_26 : memref<1x4x32xi32, #tpu.memory_space<hbm>> -> memref<4x32xi32, #tpu.memory_space<hbm>>
    %dma_start3A_28 = arith.constant 0 : i32
    %dma_start3A_29 = arith.constant 0 : i32
    %dma_start3A_30 = tpu.memref_slice %arg2[%add3A_23, %dma_start3A_28, %dma_start3A_29] : memref<25600x4x32xi32, #tpu.memory_space<hbm>> -> memref<1x4x32xi32, #tpu.memory_space<hbm>>
    %dma_start3A_31 = tpu.memref_squeeze %dma_start3A_30 : memref<1x4x32xi32, #tpu.memory_space<hbm>> -> memref<4x32xi32, #tpu.memory_space<hbm>>
    tpu.enqueue_dma source(%dma_start3A_31 : memref<4x32xi32, #tpu.memory_space<hbm>>) target(%arg8 : memref<4x32xi32, #tpu.memory_space<vmem>>) target_semaphore(%arg22 : memref<!tpu.dma_semaphore, #tpu.memory_space<semaphore_mem>>)
    %dma_wait3A = arith.constant 0 : i32
    %dma_wait3A_32 = arith.constant 0 : i32
    %dma_wait3A_33 = arith.constant 0 : i32
    %dma_wait3A_34 = tpu.memref_slice %arg2[%dma_wait3A, %dma_wait3A_32, %dma_wait3A_33] : memref<25600x4x32xi32, #tpu.memory_space<hbm>> -> memref<1x4x32xi32, #tpu.memory_space<hbm>>
    %dma_wait3A_35 = tpu.memref_squeeze %dma_wait3A_34 : memref<1x4x32xi32, #tpu.memory_space<hbm>> -> memref<4x32xi32, #tpu.memory_space<hbm>>
    %dma_wait3A_36 = arith.constant 0 : i32
    %dma_wait3A_37 = arith.constant 0 : i32
    %dma_wait3A_38 = tpu.memref_slice %arg2[%dma_wait3A, %dma_wait3A_36, %dma_wait3A_37] : memref<25600x4x32xi32, #tpu.memory_space<hbm>> -> memref<1x4x32xi32, #tpu.memory_space<hbm>>
    %dma_wait3A_39 = tpu.memref_squeeze %dma_wait3A_38 : memref<1x4x32xi32, #tpu.memory_space<hbm>> -> memref<4x32xi32, #tpu.memory_space<hbm>>
    tpu.wait_dma2 semaphore(%arg20 : memref<!tpu.dma_semaphore, #tpu.memory_space<semaphore_mem>>) src(%dma_wait3A_39 : memref<4x32xi32, #tpu.memory_space<hbm>>) dst(%arg6 : memref<4x32xi32, #tpu.memory_space<vmem>>)
    %dma_start3A_40 = arith.constant 0 : i32
    %dma_start3A_41 = arith.constant 0 : i32
    %dma_start3A_42 = tpu.memref_slice %arg6[%dma_start3A_40, %dma_start3A_41] : memref<4x32xi32, #tpu.memory_space<vmem>> -> memref<1x32xi32, #tpu.memory_space<vmem>>
    %dma_start3A_43 = tpu.memref_squeeze %dma_start3A_42 : memref<1x32xi32, #tpu.memory_space<vmem>> -> memref<32xi32, #tpu.memory_space<vmem>>
    %dma_start3A_44 = arith.constant 0 : i32
    %dma_start3A_45 = arith.constant 0 : i32
    %dma_start3A_46 = tpu.memref_slice %arg3[%dma_start3A_44, %dma_start3A_45] : memref<100000x512xf32, #tpu.memory_space<hbm>> -> memref<100000x512xf32, #tpu.memory_space<hbm>>
    tpu.enqueue_indirect_dma source(%dma_start3A_46 : memref<100000x512xf32, #tpu.memory_space<hbm>>) target(%arg10 : memref<32x512xf32, #tpu.memory_space<vmem>>) offsets(%dma_start3A_43 : memref<32xi32, #tpu.memory_space<vmem>>) semaphore(%arg24 : memref<!tpu.dma_semaphore, #tpu.memory_space<semaphore_mem>>)
    %dma_start3A_47 = arith.constant 1 : i32
    %dma_start3A_48 = arith.constant 0 : i32
    %dma_start3A_49 = tpu.memref_slice %arg6[%dma_start3A_47, %dma_start3A_48] : memref<4x32xi32, #tpu.memory_space<vmem>> -> memref<1x32xi32, #tpu.memory_space<vmem>>
    %dma_start3A_50 = tpu.memref_squeeze %dma_start3A_49 : memref<1x32xi32, #tpu.memory_space<vmem>> -> memref<32xi32, #tpu.memory_space<vmem>>
    %dma_start3A_51 = arith.constant 0 : i32
    %dma_start3A_52 = arith.constant 0 : i32
    %dma_start3A_53 = tpu.memref_slice %arg3[%dma_start3A_51, %dma_start3A_52] : memref<100000x512xf32, #tpu.memory_space<hbm>> -> memref<100000x512xf32, #tpu.memory_space<hbm>>
    tpu.enqueue_indirect_dma source(%dma_start3A_53 : memref<100000x512xf32, #tpu.memory_space<hbm>>) target(%arg12 : memref<32x512xf32, #tpu.memory_space<vmem>>) offsets(%dma_start3A_50 : memref<32xi32, #tpu.memory_space<vmem>>) semaphore(%arg24 : memref<!tpu.dma_semaphore, #tpu.memory_space<semaphore_mem>>)
    %dma_start3A_54 = arith.constant 2 : i32
    %dma_start3A_55 = arith.constant 0 : i32
    %dma_start3A_56 = tpu.memref_slice %arg6[%dma_start3A_54, %dma_start3A_55] : memref<4x32xi32, #tpu.memory_space<vmem>> -> memref<1x32xi32, #tpu.memory_space<vmem>>
    %dma_start3A_57 = tpu.memref_squeeze %dma_start3A_56 : memref<1x32xi32, #tpu.memory_space<vmem>> -> memref<32xi32, #tpu.memory_space<vmem>>
    %dma_start3A_58 = arith.constant 0 : i32
    %dma_start3A_59 = arith.constant 0 : i32
    %dma_start3A_60 = tpu.memref_slice %arg4[%dma_start3A_58, %dma_start3A_59] : memref<500x256xf32, #tpu.memory_space<hbm>> -> memref<500x256xf32, #tpu.memory_space<hbm>>
    tpu.enqueue_indirect_dma source(%dma_start3A_60 : memref<500x256xf32, #tpu.memory_space<hbm>>) target(%arg14 : memref<32x256xf32, #tpu.memory_space<vmem>>) offsets(%dma_start3A_57 : memref<32xi32, #tpu.memory_space<vmem>>) semaphore(%arg24 : memref<!tpu.dma_semaphore, #tpu.memory_space<semaphore_mem>>)
    %scan3A = arith.constant 0 : i32
    %scan3A_61 = arith.constant 0 : i32
    %scan3A_62 = arith.constant 200 : i32
    %scan3A_63 = arith.addi %scan3A_61, %scan3A_62 : i32
    %scan3A_64 = arith.constant 1 : i32
    scf.for %scan3A_79 = %scan3A_61 to %scan3A_63 step %scan3A_64  : i32 {
      %mul3A_80 = arith.constant 4 : i32
      %mul3A_81 = arith.muli %mul3A_80, %scan3A_79 : i32
      %add3A_82 = arith.constant 0 : i32
      %add3A_83 = arith.addi %mul3A_81, %add3A_82 : i32
      %add3A_84 = arith.addi %mul3A_2, %add3A_83 : i32
      %add3A_85 = arith.constant 1 : i32
      %add3A_86 = arith.addi %add3A_83, %add3A_85 : i32
      %lt3A = arith.constant 800 : i32
      %lt3A_87 = arith.cmpi slt, %add3A_86, %lt3A : i32
      %convert_element_type3A = arith.extui %lt3A_87 : i1 to i32
      %cond3A = arith.constant 0 : i32
      %cond3A_88 = arith.cmpi ne, %convert_element_type3A, %cond3A : i32
      scf.if %cond3A_88 {
        %dma_wait3A_428 = arith.constant 0 : i32
        %dma_wait3A_429 = arith.constant 0 : i32
        %dma_wait3A_430 = arith.constant 0 : i32
        %dma_wait3A_431 = tpu.memref_slice %arg2[%dma_wait3A_428, %dma_wait3A_429, %dma_wait3A_430] : memref<25600x4x32xi32, #tpu.memory_space<hbm>> -> memref<1x4x32xi32, #tpu.memory_space<hbm>>
        %dma_wait3A_432 = tpu.memref_squeeze %dma_wait3A_431 : memref<1x4x32xi32, #tpu.memory_space<hbm>> -> memref<4x32xi32, #tpu.memory_space<hbm>>
        %dma_wait3A_433 = arith.constant 0 : i32
        %dma_wait3A_434 = arith.constant 0 : i32
        %dma_wait3A_435 = tpu.memref_slice %arg2[%dma_wait3A_428, %dma_wait3A_433, %dma_wait3A_434] : memref<25600x4x32xi32, #tpu.memory_space<hbm>> -> memref<1x4x32xi32, #tpu.memory_space<hbm>>
        %dma_wait3A_436 = tpu.memref_squeeze %dma_wait3A_435 : memref<1x4x32xi32, #tpu.memory_space<hbm>> -> memref<4x32xi32, #tpu.memory_space<hbm>>
        tpu.wait_dma2 semaphore(%arg21 : memref<!tpu.dma_semaphore, #tpu.memory_space<semaphore_mem>>) src(%dma_wait3A_436 : memref<4x32xi32, #tpu.memory_space<hbm>>) dst(%arg7 : memref<4x32xi32, #tpu.memory_space<vmem>>)
        %dma_start3A_437 = arith.constant 0 : i32
        %dma_start3A_438 = arith.constant 0 : i32
        %dma_start3A_439 = tpu.memref_slice %arg7[%dma_start3A_437, %dma_start3A_438] : memref<4x32xi32, #tpu.memory_space<vmem>> -> memref<1x32xi32, #tpu.memory_space<vmem>>
        %dma_start3A_440 = tpu.memref_squeeze %dma_start3A_439 : memref<1x32xi32, #tpu.memory_space<vmem>> -> memref<32xi32, #tpu.memory_space<vmem>>
        %dma_start3A_441 = arith.constant 0 : i32
        %dma_start3A_442 = arith.constant 0 : i32
        %dma_start3A_443 = tpu.memref_slice %arg3[%dma_start3A_441, %dma_start3A_442] : memref<100000x512xf32, #tpu.memory_space<hbm>> -> memref<100000x512xf32, #tpu.memory_space<hbm>>
        tpu.enqueue_indirect_dma source(%dma_start3A_443 : memref<100000x512xf32, #tpu.memory_space<hbm>>) target(%arg11 : memref<32x512xf32, #tpu.memory_space<vmem>>) offsets(%dma_start3A_440 : memref<32xi32, #tpu.memory_space<vmem>>) semaphore(%arg25 : memref<!tpu.dma_semaphore, #tpu.memory_space<semaphore_mem>>)
        %dma_start3A_444 = arith.constant 1 : i32
        %dma_start3A_445 = arith.constant 0 : i32
        %dma_start3A_446 = tpu.memref_slice %arg7[%dma_start3A_444, %dma_start3A_445] : memref<4x32xi32, #tpu.memory_space<vmem>> -> memref<1x32xi32, #tpu.memory_space<vmem>>
        %dma_start3A_447 = tpu.memref_squeeze %dma_start3A_446 : memref<1x32xi32, #tpu.memory_space<vmem>> -> memref<32xi32, #tpu.memory_space<vmem>>
        %dma_start3A_448 = arith.constant 0 : i32
        %dma_start3A_449 = arith.constant 0 : i32
        %dma_start3A_450 = tpu.memref_slice %arg3[%dma_start3A_448, %dma_start3A_449] : memref<100000x512xf32, #tpu.memory_space<hbm>> -> memref<100000x512xf32, #tpu.memory_space<hbm>>
        tpu.enqueue_indirect_dma source(%dma_start3A_450 : memref<100000x512xf32, #tpu.memory_space<hbm>>) target(%arg13 : memref<32x512xf32, #tpu.memory_space<vmem>>) offsets(%dma_start3A_447 : memref<32xi32, #tpu.memory_space<vmem>>) semaphore(%arg25 : memref<!tpu.dma_semaphore, #tpu.memory_space<semaphore_mem>>)
        %dma_start3A_451 = arith.constant 2 : i32
        %dma_start3A_452 = arith.constant 0 : i32
        %dma_start3A_453 = tpu.memref_slice %arg7[%dma_start3A_451, %dma_start3A_452] : memref<4x32xi32, #tpu.memory_space<vmem>> -> memref<1x32xi32, #tpu.memory_space<vmem>>
        %dma_start3A_454 = tpu.memref_squeeze %dma_start3A_453 : memref<1x32xi32, #tpu.memory_space<vmem>> -> memref<32xi32, #tpu.memory_space<vmem>>
        %dma_start3A_455 = arith.constant 0 : i32
        %dma_start3A_456 = arith.constant 0 : i32
        %dma_start3A_457 = tpu.memref_slice %arg4[%dma_start3A_455, %dma_start3A_456] : memref<500x256xf32, #tpu.memory_space<hbm>> -> memref<500x256xf32, #tpu.memory_space<hbm>>
        tpu.enqueue_indirect_dma source(%dma_start3A_457 : memref<500x256xf32, #tpu.memory_space<hbm>>) target(%arg15 : memref<32x256xf32, #tpu.memory_space<vmem>>) offsets(%dma_start3A_454 : memref<32xi32, #tpu.memory_space<vmem>>) semaphore(%arg25 : memref<!tpu.dma_semaphore, #tpu.memory_space<semaphore_mem>>)
      } else {
      }
      %dma_wait3A_89 = arith.constant 0 : i32
      %dma_wait3A_90 = arith.constant 0 : i32
      %dma_wait3A_91 = tpu.memref_slice %arg3[%dma_wait3A_89, %dma_wait3A_90] : memref<100000x512xf32, #tpu.memory_space<hbm>> -> memref<32x512xf32, #tpu.memory_space<hbm>>
      %dma_wait3A_92 = arith.constant 0 : i32
      %dma_wait3A_93 = arith.constant 0 : i32
      %dma_wait3A_94 = tpu.memref_slice %arg3[%dma_wait3A_92, %dma_wait3A_93] : memref<100000x512xf32, #tpu.memory_space<hbm>> -> memref<32x512xf32, #tpu.memory_space<hbm>>
      tpu.wait_dma2 semaphore(%arg24 : memref<!tpu.dma_semaphore, #tpu.memory_space<semaphore_mem>>) src(%dma_wait3A_94 : memref<32x512xf32, #tpu.memory_space<hbm>>) dst(%arg10 : memref<32x512xf32, #tpu.memory_space<vmem>>)
      %dma_wait3A_95 = arith.constant 0 : i32
      %dma_wait3A_96 = arith.constant 0 : i32
      %dma_wait3A_97 = tpu.memref_slice %arg3[%dma_wait3A_95, %dma_wait3A_96] : memref<100000x512xf32, #tpu.memory_space<hbm>> -> memref<32x512xf32, #tpu.memory_space<hbm>>
      %dma_wait3A_98 = arith.constant 0 : i32
      %dma_wait3A_99 = arith.constant 0 : i32
      %dma_wait3A_100 = tpu.memref_slice %arg3[%dma_wait3A_98, %dma_wait3A_99] : memref<100000x512xf32, #tpu.memory_space<hbm>> -> memref<32x512xf32, #tpu.memory_space<hbm>>
      tpu.wait_dma2 semaphore(%arg24 : memref<!tpu.dma_semaphore, #tpu.memory_space<semaphore_mem>>) src(%dma_wait3A_100 : memref<32x512xf32, #tpu.memory_space<hbm>>) dst(%arg12 : memref<32x512xf32, #tpu.memory_space<vmem>>)
      %dma_wait3A_101 = arith.constant 0 : i32
      %dma_wait3A_102 = arith.constant 0 : i32
      %dma_wait3A_103 = tpu.memref_slice %arg4[%dma_wait3A_101, %dma_wait3A_102] : memref<500x256xf32, #tpu.memory_space<hbm>> -> memref<32x256xf32, #tpu.memory_space<hbm>>
      %dma_wait3A_104 = arith.constant 0 : i32
      %dma_wait3A_105 = arith.constant 0 : i32
      %dma_wait3A_106 = tpu.memref_slice %arg4[%dma_wait3A_104, %dma_wait3A_105] : memref<500x256xf32, #tpu.memory_space<hbm>> -> memref<32x256xf32, #tpu.memory_space<hbm>>
      tpu.wait_dma2 semaphore(%arg24 : memref<!tpu.dma_semaphore, #tpu.memory_space<semaphore_mem>>) src(%dma_wait3A_106 : memref<32x256xf32, #tpu.memory_space<hbm>>) dst(%arg14 : memref<32x256xf32, #tpu.memory_space<vmem>>)
      %ge3A = arith.constant 2 : i32
      %ge3A_107 = arith.cmpi sge, %add3A_83, %ge3A : i32
      %convert_element_type3A_108 = arith.extui %ge3A_107 : i1 to i32
      %cond3A_109 = arith.constant 0 : i32
      %cond3A_110 = arith.cmpi ne, %convert_element_type3A_108, %cond3A_109 : i32
      scf.if %cond3A_110 {
        %sub3A_428 = arith.constant 2 : i32
        %sub3A_429 = arith.subi %add3A_84, %sub3A_428 : i32
        %mul3A_430 = arith.constant 32 : i32
        %mul3A_431 = arith.muli %sub3A_429, %mul3A_430 : i32
        %dma_wait3A_432 = tpu.memref_slice %arg5[%mul3A_431] : memref<819200xf32, #tpu.memory_space<hbm>> -> memref<32xf32, #tpu.memory_space<hbm>>
        %dma_wait3A_433 = tpu.memref_slice %arg5[%mul3A_431] : memref<819200xf32, #tpu.memory_space<hbm>> -> memref<32xf32, #tpu.memory_space<hbm>>
        tpu.wait_dma2 semaphore(%arg26 : memref<!tpu.dma_semaphore, #tpu.memory_space<semaphore_mem>>) src(%arg16 : memref<32xf32, #tpu.memory_space<vmem>>) dst(%dma_wait3A_433 : memref<32xf32, #tpu.memory_space<hbm>>)
      } else {
      }
      %mul3A_111 = arith.constant 32 : i32
      %mul3A_112 = arith.muli %add3A_84, %mul3A_111 : i32
      %get3A = arith.constant 0 : i32
      %get3A_113 = arith.index_cast %get3A : i32 to index
      %get3A_114 = arith.constant 0 : index
      %get3A_115 = tpu.vector_load %arg10[%get3A_113, %get3A_114] {strides = array<i32>} : memref<32x512xf32, #tpu.memory_space<vmem>>, vector<16xf32>,
      %get3A_116 = arith.constant 0 : i32
      %get3A_117 = arith.index_cast %get3A_116 : i32 to index
      %get3A_118 = arith.constant 0 : index
      %get3A_119 = tpu.vector_load %arg12[%get3A_117, %get3A_118] {strides = array<i32>} : memref<32x512xf32, #tpu.memory_space<vmem>>, vector<16xf32>,
      %add3A_120 = arith.addf %get3A_115, %get3A_119 : vector<16xf32>
      %get3A_121 = arith.constant 0 : i32
      %get3A_122 = arith.index_cast %get3A_121 : i32 to index
      %get3A_123 = arith.constant 0 : index
      %get3A_124 = tpu.vector_load %arg14[%get3A_122, %get3A_123] {strides = array<i32>} : memref<32x256xf32, #tpu.memory_space<vmem>>, vector<16xf32>,
      %add3A_125 = arith.addf %add3A_120, %get3A_124 : vector<16xf32>
      %get3A_126 = arith.constant 3 : i32
      %get3A_127 = arith.index_cast %get3A_126 : i32 to index
      %get3A_128 = arith.constant 0 : index
      %get3A_129 = tpu.vector_load %arg6[%get3A_127, %get3A_128] {strides = array<i32>} : memref<4x32xi32, #tpu.memory_space<vmem>>, vector<16xi32>,
      %convert_element_type3A_130 = arith.sitofp %get3A_129 : vector<16xi32> to vector<16xf32>
      %add3A_131 = arith.addf %add3A_125, %convert_element_type3A_130 : vector<16xf32>
      %swap3A = arith.constant 0 : index
      %swap3A_132 = tpu.vector_load %arg16[%swap3A] {strides = array<i32>} : memref<32xf32, #tpu.memory_space<vmem>>, vector<16xf32>,
      tpu.vector_store %arg16[%swap3A], %add3A_131 {strides = array<i32>} : memref<32xf32, #tpu.memory_space<vmem>>, vector<16xf32>,
      %get3A_133 = arith.constant 0 : i32
      %get3A_134 = arith.index_cast %get3A_133 : i32 to index
      %get3A_135 = arith.constant 16 : index
      %get3A_136 = tpu.vector_load %arg10[%get3A_134, %get3A_135] {strides = array<i32>} : memref<32x512xf32, #tpu.memory_space<vmem>>, vector<16xf32>,
      %get3A_137 = arith.constant 0 : i32
      %get3A_138 = arith.index_cast %get3A_137 : i32 to index
      %get3A_139 = arith.constant 16 : index
      %get3A_140 = tpu.vector_load %arg12[%get3A_138, %get3A_139] {strides = array<i32>} : memref<32x512xf32, #tpu.memory_space<vmem>>, vector<16xf32>,
      %add3A_141 = arith.addf %get3A_136, %get3A_140 : vector<16xf32>
      %get3A_142 = arith.constant 0 : i32
      %get3A_143 = arith.index_cast %get3A_142 : i32 to index
      %get3A_144 = arith.constant 16 : index
      %get3A_145 = tpu.vector_load %arg14[%get3A_143, %get3A_144] {strides = array<i32>} : memref<32x256xf32, #tpu.memory_space<vmem>>, vector<16xf32>,
      %add3A_146 = arith.addf %add3A_141, %get3A_145 : vector<16xf32>
      %get3A_147 = arith.constant 3 : i32
      %get3A_148 = arith.index_cast %get3A_147 : i32 to index
      %get3A_149 = arith.constant 16 : index
      %get3A_150 = tpu.vector_load %arg6[%get3A_148, %get3A_149] {strides = array<i32>} : memref<4x32xi32, #tpu.memory_space<vmem>>, vector<16xi32>,
      %convert_element_type3A_151 = arith.sitofp %get3A_150 : vector<16xi32> to vector<16xf32>
      %add3A_152 = arith.addf %add3A_146, %convert_element_type3A_151 : vector<16xf32>
      %swap3A_153 = arith.constant 16 : index
      %swap3A_154 = tpu.vector_load %arg16[%swap3A_153] {strides = array<i32>} : memref<32xf32, #tpu.memory_space<vmem>>, vector<16xf32>,
      tpu.vector_store %arg16[%swap3A_153], %add3A_152 {strides = array<i32>} : memref<32xf32, #tpu.memory_space<vmem>>, vector<16xf32>,
      %dma_start3A_155 = tpu.memref_slice %arg5[%mul3A_112] : memref<819200xf32, #tpu.memory_space<hbm>> -> memref<32xf32, #tpu.memory_space<hbm>>
      %dma_start3A_156 = tpu.memref_slice %arg5[%mul3A_112] : memref<819200xf32, #tpu.memory_space<hbm>> -> memref<32xf32, #tpu.memory_space<hbm>>
      tpu.enqueue_dma source(%arg16 : memref<32xf32, #tpu.memory_space<vmem>>) target(%dma_start3A_156 : memref<32xf32, #tpu.memory_space<hbm>>) target_semaphore(%arg26 : memref<!tpu.dma_semaphore, #tpu.memory_space<semaphore_mem>>)
      %add3A_157 = arith.constant 3 : i32
      %add3A_158 = arith.addi %add3A_83, %add3A_157 : i32
      %lt3A_159 = arith.constant 800 : i32
      %lt3A_160 = arith.cmpi slt, %add3A_158, %lt3A_159 : i32
      %convert_element_type3A_161 = arith.extui %lt3A_160 : i1 to i32
      %cond3A_162 = arith.constant 0 : i32
      %cond3A_163 = arith.cmpi ne, %convert_element_type3A_161, %cond3A_162 : i32
      scf.if %cond3A_163 {
        %add3A_428 = arith.constant 3 : i32
        %add3A_429 = arith.addi %add3A_84, %add3A_428 : i32
        %dma_start3A_430 = arith.constant 0 : i32
        %dma_start3A_431 = arith.constant 0 : i32
        %dma_start3A_432 = tpu.memref_slice %arg2[%add3A_429, %dma_start3A_430, %dma_start3A_431] : memref<25600x4x32xi32, #tpu.memory_space<hbm>> -> memref<1x4x32xi32, #tpu.memory_space<hbm>>
        %dma_start3A_433 = tpu.memref_squeeze %dma_start3A_432 : memref<1x4x32xi32, #tpu.memory_space<hbm>> -> memref<4x32xi32, #tpu.memory_space<hbm>>
        %dma_start3A_434 = arith.constant 0 : i32
        %dma_start3A_435 = arith.constant 0 : i32
        %dma_start3A_436 = tpu.memref_slice %arg2[%add3A_429, %dma_start3A_434, %dma_start3A_435] : memref<25600x4x32xi32, #tpu.memory_space<hbm>> -> memref<1x4x32xi32, #tpu.memory_space<hbm>>
        %dma_start3A_437 = tpu.memref_squeeze %dma_start3A_436 : memref<1x4x32xi32, #tpu.memory_space<hbm>> -> memref<4x32xi32, #tpu.memory_space<hbm>>
        tpu.enqueue_dma source(%dma_start3A_437 : memref<4x32xi32, #tpu.memory_space<hbm>>) target(%arg9 : memref<4x32xi32, #tpu.memory_space<vmem>>) target_semaphore(%arg23 : memref<!tpu.dma_semaphore, #tpu.memory_space<semaphore_mem>>)
      } else {
      }
      %add3A_164 = arith.constant 1 : i32
      %add3A_165 = arith.addi %mul3A_81, %add3A_164 : i32
      %add3A_166 = arith.addi %mul3A_2, %add3A_165 : i32
      %add3A_167 = arith.constant 1 : i32
      %add3A_168 = arith.addi %add3A_165, %add3A_167 : i32
      %lt3A_169 = arith.constant 800 : i32
      %lt3A_170 = arith.cmpi slt, %add3A_168, %lt3A_169 : i32
      %convert_element_type3A_171 = arith.extui %lt3A_170 : i1 to i32
      %cond3A_172 = arith.constant 0 : i32
      %cond3A_173 = arith.cmpi ne, %convert_element_type3A_171, %cond3A_172 : i32
      scf.if %cond3A_173 {
        %dma_wait3A_428 = arith.constant 0 : i32
        %dma_wait3A_429 = arith.constant 0 : i32
        %dma_wait3A_430 = arith.constant 0 : i32
        %dma_wait3A_431 = tpu.memref_slice %arg2[%dma_wait3A_428, %dma_wait3A_429, %dma_wait3A_430] : memref<25600x4x32xi32, #tpu.memory_space<hbm>> -> memref<1x4x32xi32, #tpu.memory_space<hbm>>
        %dma_wait3A_432 = tpu.memref_squeeze %dma_wait3A_431 : memref<1x4x32xi32, #tpu.memory_space<hbm>> -> memref<4x32xi32, #tpu.memory_space<hbm>>
        %dma_wait3A_433 = arith.constant 0 : i32
        %dma_wait3A_434 = arith.constant 0 : i32
        %dma_wait3A_435 = tpu.memref_slice %arg2[%dma_wait3A_428, %dma_wait3A_433, %dma_wait3A_434] : memref<25600x4x32xi32, #tpu.memory_space<hbm>> -> memref<1x4x32xi32, #tpu.memory_space<hbm>>
        %dma_wait3A_436 = tpu.memref_squeeze %dma_wait3A_435 : memref<1x4x32xi32, #tpu.memory_space<hbm>> -> memref<4x32xi32, #tpu.memory_space<hbm>>
        tpu.wait_dma2 semaphore(%arg22 : memref<!tpu.dma_semaphore, #tpu.memory_space<semaphore_mem>>) src(%dma_wait3A_436 : memref<4x32xi32, #tpu.memory_space<hbm>>) dst(%arg8 : memref<4x32xi32, #tpu.memory_space<vmem>>)
        %dma_start3A_437 = arith.constant 0 : i32
        %dma_start3A_438 = arith.constant 0 : i32
        %dma_start3A_439 = tpu.memref_slice %arg8[%dma_start3A_437, %dma_start3A_438] : memref<4x32xi32, #tpu.memory_space<vmem>> -> memref<1x32xi32, #tpu.memory_space<vmem>>
        %dma_start3A_440 = tpu.memref_squeeze %dma_start3A_439 : memref<1x32xi32, #tpu.memory_space<vmem>> -> memref<32xi32, #tpu.memory_space<vmem>>
        %dma_start3A_441 = arith.constant 0 : i32
        %dma_start3A_442 = arith.constant 0 : i32
        %dma_start3A_443 = tpu.memref_slice %arg3[%dma_start3A_441, %dma_start3A_442] : memref<100000x512xf32, #tpu.memory_space<hbm>> -> memref<100000x512xf32, #tpu.memory_space<hbm>>
        tpu.enqueue_indirect_dma source(%dma_start3A_443 : memref<100000x512xf32, #tpu.memory_space<hbm>>) target(%arg10 : memref<32x512xf32, #tpu.memory_space<vmem>>) offsets(%dma_start3A_440 : memref<32xi32, #tpu.memory_space<vmem>>) semaphore(%arg24 : memref<!tpu.dma_semaphore, #tpu.memory_space<semaphore_mem>>)
        %dma_start3A_444 = arith.constant 1 : i32
        %dma_start3A_445 = arith.constant 0 : i32
        %dma_start3A_446 = tpu.memref_slice %arg8[%dma_start3A_444, %dma_start3A_445] : memref<4x32xi32, #tpu.memory_space<vmem>> -> memref<1x32xi32, #tpu.memory_space<vmem>>
        %dma_start3A_447 = tpu.memref_squeeze %dma_start3A_446 : memref<1x32xi32, #tpu.memory_space<vmem>> -> memref<32xi32, #tpu.memory_space<vmem>>
        %dma_start3A_448 = arith.constant 0 : i32
        %dma_start3A_449 = arith.constant 0 : i32
        %dma_start3A_450 = tpu.memref_slice %arg3[%dma_start3A_448, %dma_start3A_449] : memref<100000x512xf32, #tpu.memory_space<hbm>> -> memref<100000x512xf32, #tpu.memory_space<hbm>>
        tpu.enqueue_indirect_dma source(%dma_start3A_450 : memref<100000x512xf32, #tpu.memory_space<hbm>>) target(%arg12 : memref<32x512xf32, #tpu.memory_space<vmem>>) offsets(%dma_start3A_447 : memref<32xi32, #tpu.memory_space<vmem>>) semaphore(%arg24 : memref<!tpu.dma_semaphore, #tpu.memory_space<semaphore_mem>>)
        %dma_start3A_451 = arith.constant 2 : i32
        %dma_start3A_452 = arith.constant 0 : i32
        %dma_start3A_453 = tpu.memref_slice %arg8[%dma_start3A_451, %dma_start3A_452] : memref<4x32xi32, #tpu.memory_space<vmem>> -> memref<1x32xi32, #tpu.memory_space<vmem>>
        %dma_start3A_454 = tpu.memref_squeeze %dma_start3A_453 : memref<1x32xi32, #tpu.memory_space<vmem>> -> memref<32xi32, #tpu.memory_space<vmem>>
        %dma_start3A_455 = arith.constant 0 : i32
        %dma_start3A_456 = arith.constant 0 : i32
        %dma_start3A_457 = tpu.memref_slice %arg4[%dma_start3A_455, %dma_start3A_456] : memref<500x256xf32, #tpu.memory_space<hbm>> -> memref<500x256xf32, #tpu.memory_space<hbm>>
        tpu.enqueue_indirect_dma source(%dma_start3A_457 : memref<500x256xf32, #tpu.memory_space<hbm>>) target(%arg14 : memref<32x256xf32, #tpu.memory_space<vmem>>) offsets(%dma_start3A_454 : memref<32xi32, #tpu.memory_space<vmem>>) semaphore(%arg24 : memref<!tpu.dma_semaphore, #tpu.memory_space<semaphore_mem>>)
      } else {
      }
      %dma_wait3A_174 = arith.constant 0 : i32
      %dma_wait3A_175 = arith.constant 0 : i32
      %dma_wait3A_176 = tpu.memref_slice %arg3[%dma_wait3A_174, %dma_wait3A_175] : memref<100000x512xf32, #tpu.memory_space<hbm>> -> memref<32x512xf32, #tpu.memory_space<hbm>>
      %dma_wait3A_177 = arith.constant 0 : i32
      %dma_wait3A_178 = arith.constant 0 : i32
      %dma_wait3A_179 = tpu.memref_slice %arg3[%dma_wait3A_177, %dma_wait3A_178] : memref<100000x512xf32, #tpu.memory_space<hbm>> -> memref<32x512xf32, #tpu.memory_space<hbm>>
      tpu.wait_dma2 semaphore(%arg25 : memref<!tpu.dma_semaphore, #tpu.memory_space<semaphore_mem>>) src(%dma_wait3A_179 : memref<32x512xf32, #tpu.memory_space<hbm>>) dst(%arg11 : memref<32x512xf32, #tpu.memory_space<vmem>>)
      %dma_wait3A_180 = arith.constant 0 : i32
      %dma_wait3A_181 = arith.constant 0 : i32
      %dma_wait3A_182 = tpu.memref_slice %arg3[%dma_wait3A_180, %dma_wait3A_181] : memref<100000x512xf32, #tpu.memory_space<hbm>> -> memref<32x512xf32, #tpu.memory_space<hbm>>
      %dma_wait3A_183 = arith.constant 0 : i32
      %dma_wait3A_184 = arith.constant 0 : i32
      %dma_wait3A_185 = tpu.memref_slice %arg3[%dma_wait3A_183, %dma_wait3A_184] : memref<100000x512xf32, #tpu.memory_space<hbm>> -> memref<32x512xf32, #tpu.memory_space<hbm>>
      tpu.wait_dma2 semaphore(%arg25 : memref<!tpu.dma_semaphore, #tpu.memory_space<semaphore_mem>>) src(%dma_wait3A_185 : memref<32x512xf32, #tpu.memory_space<hbm>>) dst(%arg13 : memref<32x512xf32, #tpu.memory_space<vmem>>)
      %dma_wait3A_186 = arith.constant 0 : i32
      %dma_wait3A_187 = arith.constant 0 : i32
      %dma_wait3A_188 = tpu.memref_slice %arg4[%dma_wait3A_186, %dma_wait3A_187] : memref<500x256xf32, #tpu.memory_space<hbm>> -> memref<32x256xf32, #tpu.memory_space<hbm>>
      %dma_wait3A_189 = arith.constant 0 : i32
      %dma_wait3A_190 = arith.constant 0 : i32
      %dma_wait3A_191 = tpu.memref_slice %arg4[%dma_wait3A_189, %dma_wait3A_190] : memref<500x256xf32, #tpu.memory_space<hbm>> -> memref<32x256xf32, #tpu.memory_space<hbm>>
      tpu.wait_dma2 semaphore(%arg25 : memref<!tpu.dma_semaphore, #tpu.memory_space<semaphore_mem>>) src(%dma_wait3A_191 : memref<32x256xf32, #tpu.memory_space<hbm>>) dst(%arg15 : memref<32x256xf32, #tpu.memory_space<vmem>>)
      %ge3A_192 = arith.constant 2 : i32
      %ge3A_193 = arith.cmpi sge, %add3A_165, %ge3A_192 : i32
      %convert_element_type3A_194 = arith.extui %ge3A_193 : i1 to i32
      %cond3A_195 = arith.constant 0 : i32
      %cond3A_196 = arith.cmpi ne, %convert_element_type3A_194, %cond3A_195 : i32
      scf.if %cond3A_196 {
        %sub3A_428 = arith.constant 2 : i32
        %sub3A_429 = arith.subi %add3A_166, %sub3A_428 : i32
        %mul3A_430 = arith.constant 32 : i32
        %mul3A_431 = arith.muli %sub3A_429, %mul3A_430 : i32
        %dma_wait3A_432 = tpu.memref_slice %arg5[%mul3A_431] : memref<819200xf32, #tpu.memory_space<hbm>> -> memref<32xf32, #tpu.memory_space<hbm>>
        %dma_wait3A_433 = tpu.memref_slice %arg5[%mul3A_431] : memref<819200xf32, #tpu.memory_space<hbm>> -> memref<32xf32, #tpu.memory_space<hbm>>
        tpu.wait_dma2 semaphore(%arg27 : memref<!tpu.dma_semaphore, #tpu.memory_space<semaphore_mem>>) src(%arg17 : memref<32xf32, #tpu.memory_space<vmem>>) dst(%dma_wait3A_433 : memref<32xf32, #tpu.memory_space<hbm>>)
      } else {
      }
      %mul3A_197 = arith.constant 32 : i32
      %mul3A_198 = arith.muli %add3A_166, %mul3A_197 : i32
      %get3A_199 = arith.constant 0 : i32
      %get3A_200 = arith.index_cast %get3A_199 : i32 to index
      %get3A_201 = arith.constant 0 : index
      %get3A_202 = tpu.vector_load %arg11[%get3A_200, %get3A_201] {strides = array<i32>} : memref<32x512xf32, #tpu.memory_space<vmem>>, vector<16xf32>,
      %get3A_203 = arith.constant 0 : i32
      %get3A_204 = arith.index_cast %get3A_203 : i32 to index
      %get3A_205 = arith.constant 0 : index
      %get3A_206 = tpu.vector_load %arg13[%get3A_204, %get3A_205] {strides = array<i32>} : memref<32x512xf32, #tpu.memory_space<vmem>>, vector<16xf32>,
      %add3A_207 = arith.addf %get3A_202, %get3A_206 : vector<16xf32>
      %get3A_208 = arith.constant 0 : i32
      %get3A_209 = arith.index_cast %get3A_208 : i32 to index
      %get3A_210 = arith.constant 0 : index
      %get3A_211 = tpu.vector_load %arg15[%get3A_209, %get3A_210] {strides = array<i32>} : memref<32x256xf32, #tpu.memory_space<vmem>>, vector<16xf32>,
      %add3A_212 = arith.addf %add3A_207, %get3A_211 : vector<16xf32>
      %get3A_213 = arith.constant 3 : i32
      %get3A_214 = arith.index_cast %get3A_213 : i32 to index
      %get3A_215 = arith.constant 0 : index
      %get3A_216 = tpu.vector_load %arg7[%get3A_214, %get3A_215] {strides = array<i32>} : memref<4x32xi32, #tpu.memory_space<vmem>>, vector<16xi32>,
      %convert_element_type3A_217 = arith.sitofp %get3A_216 : vector<16xi32> to vector<16xf32>
      %add3A_218 = arith.addf %add3A_212, %convert_element_type3A_217 : vector<16xf32>
      %swap3A_219 = arith.constant 0 : index
      %swap3A_220 = tpu.vector_load %arg17[%swap3A_219] {strides = array<i32>} : memref<32xf32, #tpu.memory_space<vmem>>, vector<16xf32>,
      tpu.vector_store %arg17[%swap3A_219], %add3A_218 {strides = array<i32>} : memref<32xf32, #tpu.memory_space<vmem>>, vector<16xf32>,
      %get3A_221 = arith.constant 0 : i32
      %get3A_222 = arith.index_cast %get3A_221 : i32 to index
      %get3A_223 = arith.constant 16 : index
      %get3A_224 = tpu.vector_load %arg11[%get3A_222, %get3A_223] {strides = array<i32>} : memref<32x512xf32, #tpu.memory_space<vmem>>, vector<16xf32>,
      %get3A_225 = arith.constant 0 : i32
      %get3A_226 = arith.index_cast %get3A_225 : i32 to index
      %get3A_227 = arith.constant 16 : index
      %get3A_228 = tpu.vector_load %arg13[%get3A_226, %get3A_227] {strides = array<i32>} : memref<32x512xf32, #tpu.memory_space<vmem>>, vector<16xf32>,
      %add3A_229 = arith.addf %get3A_224, %get3A_228 : vector<16xf32>
      %get3A_230 = arith.constant 0 : i32
      %get3A_231 = arith.index_cast %get3A_230 : i32 to index
      %get3A_232 = arith.constant 16 : index
      %get3A_233 = tpu.vector_load %arg15[%get3A_231, %get3A_232] {strides = array<i32>} : memref<32x256xf32, #tpu.memory_space<vmem>>, vector<16xf32>,
      %add3A_234 = arith.addf %add3A_229, %get3A_233 : vector<16xf32>
      %get3A_235 = arith.constant 3 : i32
      %get3A_236 = arith.index_cast %get3A_235 : i32 to index
      %get3A_237 = arith.constant 16 : index
      %get3A_238 = tpu.vector_load %arg7[%get3A_236, %get3A_237] {strides = array<i32>} : memref<4x32xi32, #tpu.memory_space<vmem>>, vector<16xi32>,
      %convert_element_type3A_239 = arith.sitofp %get3A_238 : vector<16xi32> to vector<16xf32>
      %add3A_240 = arith.addf %add3A_234, %convert_element_type3A_239 : vector<16xf32>
      %swap3A_241 = arith.constant 16 : index
      %swap3A_242 = tpu.vector_load %arg17[%swap3A_241] {strides = array<i32>} : memref<32xf32, #tpu.memory_space<vmem>>, vector<16xf32>,
      tpu.vector_store %arg17[%swap3A_241], %add3A_240 {strides = array<i32>} : memref<32xf32, #tpu.memory_space<vmem>>, vector<16xf32>,
      %dma_start3A_243 = tpu.memref_slice %arg5[%mul3A_198] : memref<819200xf32, #tpu.memory_space<hbm>> -> memref<32xf32, #tpu.memory_space<hbm>>
      %dma_start3A_244 = tpu.memref_slice %arg5[%mul3A_198] : memref<819200xf32, #tpu.memory_space<hbm>> -> memref<32xf32, #tpu.memory_space<hbm>>
      tpu.enqueue_dma source(%arg17 : memref<32xf32, #tpu.memory_space<vmem>>) target(%dma_start3A_244 : memref<32xf32, #tpu.memory_space<hbm>>) target_semaphore(%arg27 : memref<!tpu.dma_semaphore, #tpu.memory_space<semaphore_mem>>)
      %add3A_245 = arith.constant 3 : i32
      %add3A_246 = arith.addi %add3A_165, %add3A_245 : i32
      %lt3A_247 = arith.constant 800 : i32
      %lt3A_248 = arith.cmpi slt, %add3A_246, %lt3A_247 : i32
      %convert_element_type3A_249 = arith.extui %lt3A_248 : i1 to i32
      %cond3A_250 = arith.constant 0 : i32
      %cond3A_251 = arith.cmpi ne, %convert_element_type3A_249, %cond3A_250 : i32
      scf.if %cond3A_251 {
        %add3A_428 = arith.constant 3 : i32
        %add3A_429 = arith.addi %add3A_166, %add3A_428 : i32
        %dma_start3A_430 = arith.constant 0 : i32
        %dma_start3A_431 = arith.constant 0 : i32
        %dma_start3A_432 = tpu.memref_slice %arg2[%add3A_429, %dma_start3A_430, %dma_start3A_431] : memref<25600x4x32xi32, #tpu.memory_space<hbm>> -> memref<1x4x32xi32, #tpu.memory_space<hbm>>
        %dma_start3A_433 = tpu.memref_squeeze %dma_start3A_432 : memref<1x4x32xi32, #tpu.memory_space<hbm>> -> memref<4x32xi32, #tpu.memory_space<hbm>>
        %dma_start3A_434 = arith.constant 0 : i32
        %dma_start3A_435 = arith.constant 0 : i32
        %dma_start3A_436 = tpu.memref_slice %arg2[%add3A_429, %dma_start3A_434, %dma_start3A_435] : memref<25600x4x32xi32, #tpu.memory_space<hbm>> -> memref<1x4x32xi32, #tpu.memory_space<hbm>>
        %dma_start3A_437 = tpu.memref_squeeze %dma_start3A_436 : memref<1x4x32xi32, #tpu.memory_space<hbm>> -> memref<4x32xi32, #tpu.memory_space<hbm>>
        tpu.enqueue_dma source(%dma_start3A_437 : memref<4x32xi32, #tpu.memory_space<hbm>>) target(%arg6 : memref<4x32xi32, #tpu.memory_space<vmem>>) target_semaphore(%arg20 : memref<!tpu.dma_semaphore, #tpu.memory_space<semaphore_mem>>)
      } else {
      }
      %add3A_252 = arith.constant 2 : i32
      %add3A_253 = arith.addi %mul3A_81, %add3A_252 : i32
      %add3A_254 = arith.addi %mul3A_2, %add3A_253 : i32
      %add3A_255 = arith.constant 1 : i32
      %add3A_256 = arith.addi %add3A_253, %add3A_255 : i32
      %lt3A_257 = arith.constant 800 : i32
      %lt3A_258 = arith.cmpi slt, %add3A_256, %lt3A_257 : i32
      %convert_element_type3A_259 = arith.extui %lt3A_258 : i1 to i32
      %cond3A_260 = arith.constant 0 : i32
      %cond3A_261 = arith.cmpi ne, %convert_element_type3A_259, %cond3A_260 : i32
      scf.if %cond3A_261 {
        %dma_wait3A_428 = arith.constant 0 : i32
        %dma_wait3A_429 = arith.constant 0 : i32
        %dma_wait3A_430 = arith.constant 0 : i32
        %dma_wait3A_431 = tpu.memref_slice %arg2[%dma_wait3A_428, %dma_wait3A_429, %dma_wait3A_430] : memref<25600x4x32xi32, #tpu.memory_space<hbm>> -> memref<1x4x32xi32, #tpu.memory_space<hbm>>
        %dma_wait3A_432 = tpu.memref_squeeze %dma_wait3A_431 : memref<1x4x32xi32, #tpu.memory_space<hbm>> -> memref<4x32xi32, #tpu.memory_space<hbm>>
        %dma_wait3A_433 = arith.constant 0 : i32
        %dma_wait3A_434 = arith.constant 0 : i32
        %dma_wait3A_435 = tpu.memref_slice %arg2[%dma_wait3A_428, %dma_wait3A_433, %dma_wait3A_434] : memref<25600x4x32xi32, #tpu.memory_space<hbm>> -> memref<1x4x32xi32, #tpu.memory_space<hbm>>
        %dma_wait3A_436 = tpu.memref_squeeze %dma_wait3A_435 : memref<1x4x32xi32, #tpu.memory_space<hbm>> -> memref<4x32xi32, #tpu.memory_space<hbm>>
        tpu.wait_dma2 semaphore(%arg23 : memref<!tpu.dma_semaphore, #tpu.memory_space<semaphore_mem>>) src(%dma_wait3A_436 : memref<4x32xi32, #tpu.memory_space<hbm>>) dst(%arg9 : memref<4x32xi32, #tpu.memory_space<vmem>>)
        %dma_start3A_437 = arith.constant 0 : i32
        %dma_start3A_438 = arith.constant 0 : i32
        %dma_start3A_439 = tpu.memref_slice %arg9[%dma_start3A_437, %dma_start3A_438] : memref<4x32xi32, #tpu.memory_space<vmem>> -> memref<1x32xi32, #tpu.memory_space<vmem>>
        %dma_start3A_440 = tpu.memref_squeeze %dma_start3A_439 : memref<1x32xi32, #tpu.memory_space<vmem>> -> memref<32xi32, #tpu.memory_space<vmem>>
        %dma_start3A_441 = arith.constant 0 : i32
        %dma_start3A_442 = arith.constant 0 : i32
        %dma_start3A_443 = tpu.memref_slice %arg3[%dma_start3A_441, %dma_start3A_442] : memref<100000x512xf32, #tpu.memory_space<hbm>> -> memref<100000x512xf32, #tpu.memory_space<hbm>>
        tpu.enqueue_indirect_dma source(%dma_start3A_443 : memref<100000x512xf32, #tpu.memory_space<hbm>>) target(%arg11 : memref<32x512xf32, #tpu.memory_space<vmem>>) offsets(%dma_start3A_440 : memref<32xi32, #tpu.memory_space<vmem>>) semaphore(%arg25 : memref<!tpu.dma_semaphore, #tpu.memory_space<semaphore_mem>>)
        %dma_start3A_444 = arith.constant 1 : i32
        %dma_start3A_445 = arith.constant 0 : i32
        %dma_start3A_446 = tpu.memref_slice %arg9[%dma_start3A_444, %dma_start3A_445] : memref<4x32xi32, #tpu.memory_space<vmem>> -> memref<1x32xi32, #tpu.memory_space<vmem>>
        %dma_start3A_447 = tpu.memref_squeeze %dma_start3A_446 : memref<1x32xi32, #tpu.memory_space<vmem>> -> memref<32xi32, #tpu.memory_space<vmem>>
        %dma_start3A_448 = arith.constant 0 : i32
        %dma_start3A_449 = arith.constant 0 : i32
        %dma_start3A_450 = tpu.memref_slice %arg3[%dma_start3A_448, %dma_start3A_449] : memref<100000x512xf32, #tpu.memory_space<hbm>> -> memref<100000x512xf32, #tpu.memory_space<hbm>>
        tpu.enqueue_indirect_dma source(%dma_start3A_450 : memref<100000x512xf32, #tpu.memory_space<hbm>>) target(%arg13 : memref<32x512xf32, #tpu.memory_space<vmem>>) offsets(%dma_start3A_447 : memref<32xi32, #tpu.memory_space<vmem>>) semaphore(%arg25 : memref<!tpu.dma_semaphore, #tpu.memory_space<semaphore_mem>>)
        %dma_start3A_451 = arith.constant 2 : i32
        %dma_start3A_452 = arith.constant 0 : i32
        %dma_start3A_453 = tpu.memref_slice %arg9[%dma_start3A_451, %dma_start3A_452] : memref<4x32xi32, #tpu.memory_space<vmem>> -> memref<1x32xi32, #tpu.memory_space<vmem>>
        %dma_start3A_454 = tpu.memref_squeeze %dma_start3A_453 : memref<1x32xi32, #tpu.memory_space<vmem>> -> memref<32xi32, #tpu.memory_space<vmem>>
        %dma_start3A_455 = arith.constant 0 : i32
        %dma_start3A_456 = arith.constant 0 : i32
        %dma_start3A_457 = tpu.memref_slice %arg4[%dma_start3A_455, %dma_start3A_456] : memref<500x256xf32, #tpu.memory_space<hbm>> -> memref<500x256xf32, #tpu.memory_space<hbm>>
        tpu.enqueue_indirect_dma source(%dma_start3A_457 : memref<500x256xf32, #tpu.memory_space<hbm>>) target(%arg15 : memref<32x256xf32, #tpu.memory_space<vmem>>) offsets(%dma_start3A_454 : memref<32xi32, #tpu.memory_space<vmem>>) semaphore(%arg25 : memref<!tpu.dma_semaphore, #tpu.memory_space<semaphore_mem>>)
      } else {
      }
      %dma_wait3A_262 = arith.constant 0 : i32
      %dma_wait3A_263 = arith.constant 0 : i32
      %dma_wait3A_264 = tpu.memref_slice %arg3[%dma_wait3A_262, %dma_wait3A_263] : memref<100000x512xf32, #tpu.memory_space<hbm>> -> memref<32x512xf32, #tpu.memory_space<hbm>>
      %dma_wait3A_265 = arith.constant 0 : i32
      %dma_wait3A_266 = arith.constant 0 : i32
      %dma_wait3A_267 = tpu.memref_slice %arg3[%dma_wait3A_265, %dma_wait3A_266] : memref<100000x512xf32, #tpu.memory_space<hbm>> -> memref<32x512xf32, #tpu.memory_space<hbm>>
      tpu.wait_dma2 semaphore(%arg24 : memref<!tpu.dma_semaphore, #tpu.memory_space<semaphore_mem>>) src(%dma_wait3A_267 : memref<32x512xf32, #tpu.memory_space<hbm>>) dst(%arg10 : memref<32x512xf32, #tpu.memory_space<vmem>>)
      %dma_wait3A_268 = arith.constant 0 : i32
      %dma_wait3A_269 = arith.constant 0 : i32
      %dma_wait3A_270 = tpu.memref_slice %arg3[%dma_wait3A_268, %dma_wait3A_269] : memref<100000x512xf32, #tpu.memory_space<hbm>> -> memref<32x512xf32, #tpu.memory_space<hbm>>
      %dma_wait3A_271 = arith.constant 0 : i32
      %dma_wait3A_272 = arith.constant 0 : i32
      %dma_wait3A_273 = tpu.memref_slice %arg3[%dma_wait3A_271, %dma_wait3A_272] : memref<100000x512xf32, #tpu.memory_space<hbm>> -> memref<32x512xf32, #tpu.memory_space<hbm>>
      tpu.wait_dma2 semaphore(%arg24 : memref<!tpu.dma_semaphore, #tpu.memory_space<semaphore_mem>>) src(%dma_wait3A_273 : memref<32x512xf32, #tpu.memory_space<hbm>>) dst(%arg12 : memref<32x512xf32, #tpu.memory_space<vmem>>)
      %dma_wait3A_274 = arith.constant 0 : i32
      %dma_wait3A_275 = arith.constant 0 : i32
      %dma_wait3A_276 = tpu.memref_slice %arg4[%dma_wait3A_274, %dma_wait3A_275] : memref<500x256xf32, #tpu.memory_space<hbm>> -> memref<32x256xf32, #tpu.memory_space<hbm>>
      %dma_wait3A_277 = arith.constant 0 : i32
      %dma_wait3A_278 = arith.constant 0 : i32
      %dma_wait3A_279 = tpu.memref_slice %arg4[%dma_wait3A_277, %dma_wait3A_278] : memref<500x256xf32, #tpu.memory_space<hbm>> -> memref<32x256xf32, #tpu.memory_space<hbm>>
      tpu.wait_dma2 semaphore(%arg24 : memref<!tpu.dma_semaphore, #tpu.memory_space<semaphore_mem>>) src(%dma_wait3A_279 : memref<32x256xf32, #tpu.memory_space<hbm>>) dst(%arg14 : memref<32x256xf32, #tpu.memory_space<vmem>>)
      %ge3A_280 = arith.constant 2 : i32
      %ge3A_281 = arith.cmpi sge, %add3A_253, %ge3A_280 : i32
      %convert_element_type3A_282 = arith.extui %ge3A_281 : i1 to i32
      %cond3A_283 = arith.constant 0 : i32
      %cond3A_284 = arith.cmpi ne, %convert_element_type3A_282, %cond3A_283 : i32
      scf.if %cond3A_284 {
        %sub3A_428 = arith.constant 2 : i32
        %sub3A_429 = arith.subi %add3A_254, %sub3A_428 : i32
        %mul3A_430 = arith.constant 32 : i32
        %mul3A_431 = arith.muli %sub3A_429, %mul3A_430 : i32
        %dma_wait3A_432 = tpu.memref_slice %arg5[%mul3A_431] : memref<819200xf32, #tpu.memory_space<hbm>> -> memref<32xf32, #tpu.memory_space<hbm>>
        %dma_wait3A_433 = tpu.memref_slice %arg5[%mul3A_431] : memref<819200xf32, #tpu.memory_space<hbm>> -> memref<32xf32, #tpu.memory_space<hbm>>
        tpu.wait_dma2 semaphore(%arg26 : memref<!tpu.dma_semaphore, #tpu.memory_space<semaphore_mem>>) src(%arg16 : memref<32xf32, #tpu.memory_space<vmem>>) dst(%dma_wait3A_433 : memref<32xf32, #tpu.memory_space<hbm>>)
      } else {
      }
      %mul3A_285 = arith.constant 32 : i32
      %mul3A_286 = arith.muli %add3A_254, %mul3A_285 : i32
      %get3A_287 = arith.constant 0 : i32
      %get3A_288 = arith.index_cast %get3A_287 : i32 to index
      %get3A_289 = arith.constant 0 : index
      %get3A_290 = tpu.vector_load %arg10[%get3A_288, %get3A_289] {strides = array<i32>} : memref<32x512xf32, #tpu.memory_space<vmem>>, vector<16xf32>,
      %get3A_291 = arith.constant 0 : i32
      %get3A_292 = arith.index_cast %get3A_291 : i32 to index
      %get3A_293 = arith.constant 0 : index
      %get3A_294 = tpu.vector_load %arg12[%get3A_292, %get3A_293] {strides = array<i32>} : memref<32x512xf32, #tpu.memory_space<vmem>>, vector<16xf32>,
      %add3A_295 = arith.addf %get3A_290, %get3A_294 : vector<16xf32>
      %get3A_296 = arith.constant 0 : i32
      %get3A_297 = arith.index_cast %get3A_296 : i32 to index
      %get3A_298 = arith.constant 0 : index
      %get3A_299 = tpu.vector_load %arg14[%get3A_297, %get3A_298] {strides = array<i32>} : memref<32x256xf32, #tpu.memory_space<vmem>>, vector<16xf32>,
      %add3A_300 = arith.addf %add3A_295, %get3A_299 : vector<16xf32>
      %get3A_301 = arith.constant 3 : i32
      %get3A_302 = arith.index_cast %get3A_301 : i32 to index
      %get3A_303 = arith.constant 0 : index
      %get3A_304 = tpu.vector_load %arg8[%get3A_302, %get3A_303] {strides = array<i32>} : memref<4x32xi32, #tpu.memory_space<vmem>>, vector<16xi32>,
      %convert_element_type3A_305 = arith.sitofp %get3A_304 : vector<16xi32> to vector<16xf32>
      %add3A_306 = arith.addf %add3A_300, %convert_element_type3A_305 : vector<16xf32>
      %swap3A_307 = arith.constant 0 : index
      %swap3A_308 = tpu.vector_load %arg16[%swap3A_307] {strides = array<i32>} : memref<32xf32, #tpu.memory_space<vmem>>, vector<16xf32>,
      tpu.vector_store %arg16[%swap3A_307], %add3A_306 {strides = array<i32>} : memref<32xf32, #tpu.memory_space<vmem>>, vector<16xf32>,
      %get3A_309 = arith.constant 0 : i32
      %get3A_310 = arith.index_cast %get3A_309 : i32 to index
      %get3A_311 = arith.constant 16 : index
      %get3A_312 = tpu.vector_load %arg10[%get3A_310, %get3A_311] {strides = array<i32>} : memref<32x512xf32, #tpu.memory_space<vmem>>, vector<16xf32>,
      %get3A_313 = arith.constant 0 : i32
      %get3A_314 = arith.index_cast %get3A_313 : i32 to index
      %get3A_315 = arith.constant 16 : index
      %get3A_316 = tpu.vector_load %arg12[%get3A_314, %get3A_315] {strides = array<i32>} : memref<32x512xf32, #tpu.memory_space<vmem>>, vector<16xf32>,
      %add3A_317 = arith.addf %get3A_312, %get3A_316 : vector<16xf32>
      %get3A_318 = arith.constant 0 : i32
      %get3A_319 = arith.index_cast %get3A_318 : i32 to index
      %get3A_320 = arith.constant 16 : index
      %get3A_321 = tpu.vector_load %arg14[%get3A_319, %get3A_320] {strides = array<i32>} : memref<32x256xf32, #tpu.memory_space<vmem>>, vector<16xf32>,
      %add3A_322 = arith.addf %add3A_317, %get3A_321 : vector<16xf32>
      %get3A_323 = arith.constant 3 : i32
      %get3A_324 = arith.index_cast %get3A_323 : i32 to index
      %get3A_325 = arith.constant 16 : index
      %get3A_326 = tpu.vector_load %arg8[%get3A_324, %get3A_325] {strides = array<i32>} : memref<4x32xi32, #tpu.memory_space<vmem>>, vector<16xi32>,
      %convert_element_type3A_327 = arith.sitofp %get3A_326 : vector<16xi32> to vector<16xf32>
      %add3A_328 = arith.addf %add3A_322, %convert_element_type3A_327 : vector<16xf32>
      %swap3A_329 = arith.constant 16 : index
      %swap3A_330 = tpu.vector_load %arg16[%swap3A_329] {strides = array<i32>} : memref<32xf32, #tpu.memory_space<vmem>>, vector<16xf32>,
      tpu.vector_store %arg16[%swap3A_329], %add3A_328 {strides = array<i32>} : memref<32xf32, #tpu.memory_space<vmem>>, vector<16xf32>,
      %dma_start3A_331 = tpu.memref_slice %arg5[%mul3A_286] : memref<819200xf32, #tpu.memory_space<hbm>> -> memref<32xf32, #tpu.memory_space<hbm>>
      %dma_start3A_332 = tpu.memref_slice %arg5[%mul3A_286] : memref<819200xf32, #tpu.memory_space<hbm>> -> memref<32xf32, #tpu.memory_space<hbm>>
      tpu.enqueue_dma source(%arg16 : memref<32xf32, #tpu.memory_space<vmem>>) target(%dma_start3A_332 : memref<32xf32, #tpu.memory_space<hbm>>) target_semaphore(%arg26 : memref<!tpu.dma_semaphore, #tpu.memory_space<semaphore_mem>>)
      %add3A_333 = arith.constant 3 : i32
      %add3A_334 = arith.addi %add3A_253, %add3A_333 : i32
      %lt3A_335 = arith.constant 800 : i32
      %lt3A_336 = arith.cmpi slt, %add3A_334, %lt3A_335 : i32
      %convert_element_type3A_337 = arith.extui %lt3A_336 : i1 to i32
      %cond3A_338 = arith.constant 0 : i32
      %cond3A_339 = arith.cmpi ne, %convert_element_type3A_337, %cond3A_338 : i32
      scf.if %cond3A_339 {
        %add3A_428 = arith.constant 3 : i32
        %add3A_429 = arith.addi %add3A_254, %add3A_428 : i32
        %dma_start3A_430 = arith.constant 0 : i32
        %dma_start3A_431 = arith.constant 0 : i32
        %dma_start3A_432 = tpu.memref_slice %arg2[%add3A_429, %dma_start3A_430, %dma_start3A_431] : memref<25600x4x32xi32, #tpu.memory_space<hbm>> -> memref<1x4x32xi32, #tpu.memory_space<hbm>>
        %dma_start3A_433 = tpu.memref_squeeze %dma_start3A_432 : memref<1x4x32xi32, #tpu.memory_space<hbm>> -> memref<4x32xi32, #tpu.memory_space<hbm>>
        %dma_start3A_434 = arith.constant 0 : i32
        %dma_start3A_435 = arith.constant 0 : i32
        %dma_start3A_436 = tpu.memref_slice %arg2[%add3A_429, %dma_start3A_434, %dma_start3A_435] : memref<25600x4x32xi32, #tpu.memory_space<hbm>> -> memref<1x4x32xi32, #tpu.memory_space<hbm>>
        %dma_start3A_437 = tpu.memref_squeeze %dma_start3A_436 : memref<1x4x32xi32, #tpu.memory_space<hbm>> -> memref<4x32xi32, #tpu.memory_space<hbm>>
        tpu.enqueue_dma source(%dma_start3A_437 : memref<4x32xi32, #tpu.memory_space<hbm>>) target(%arg7 : memref<4x32xi32, #tpu.memory_space<vmem>>) target_semaphore(%arg21 : memref<!tpu.dma_semaphore, #tpu.memory_space<semaphore_mem>>)
      } else {
      }
      %add3A_340 = arith.constant 3 : i32
      %add3A_341 = arith.addi %mul3A_81, %add3A_340 : i32
      %add3A_342 = arith.addi %mul3A_2, %add3A_341 : i32
      %add3A_343 = arith.constant 1 : i32
      %add3A_344 = arith.addi %add3A_341, %add3A_343 : i32
      %lt3A_345 = arith.constant 800 : i32
      %lt3A_346 = arith.cmpi slt, %add3A_344, %lt3A_345 : i32
      %convert_element_type3A_347 = arith.extui %lt3A_346 : i1 to i32
      %cond3A_348 = arith.constant 0 : i32
      %cond3A_349 = arith.cmpi ne, %convert_element_type3A_347, %cond3A_348 : i32
      scf.if %cond3A_349 {
        %dma_wait3A_428 = arith.constant 0 : i32
        %dma_wait3A_429 = arith.constant 0 : i32
        %dma_wait3A_430 = arith.constant 0 : i32
        %dma_wait3A_431 = tpu.memref_slice %arg2[%dma_wait3A_428, %dma_wait3A_429, %dma_wait3A_430] : memref<25600x4x32xi32, #tpu.memory_space<hbm>> -> memref<1x4x32xi32, #tpu.memory_space<hbm>>
        %dma_wait3A_432 = tpu.memref_squeeze %dma_wait3A_431 : memref<1x4x32xi32, #tpu.memory_space<hbm>> -> memref<4x32xi32, #tpu.memory_space<hbm>>
        %dma_wait3A_433 = arith.constant 0 : i32
        %dma_wait3A_434 = arith.constant 0 : i32
        %dma_wait3A_435 = tpu.memref_slice %arg2[%dma_wait3A_428, %dma_wait3A_433, %dma_wait3A_434] : memref<25600x4x32xi32, #tpu.memory_space<hbm>> -> memref<1x4x32xi32, #tpu.memory_space<hbm>>
        %dma_wait3A_436 = tpu.memref_squeeze %dma_wait3A_435 : memref<1x4x32xi32, #tpu.memory_space<hbm>> -> memref<4x32xi32, #tpu.memory_space<hbm>>
        tpu.wait_dma2 semaphore(%arg20 : memref<!tpu.dma_semaphore, #tpu.memory_space<semaphore_mem>>) src(%dma_wait3A_436 : memref<4x32xi32, #tpu.memory_space<hbm>>) dst(%arg6 : memref<4x32xi32, #tpu.memory_space<vmem>>)
        %dma_start3A_437 = arith.constant 0 : i32
        %dma_start3A_438 = arith.constant 0 : i32
        %dma_start3A_439 = tpu.memref_slice %arg6[%dma_start3A_437, %dma_start3A_438] : memref<4x32xi32, #tpu.memory_space<vmem>> -> memref<1x32xi32, #tpu.memory_space<vmem>>
        %dma_start3A_440 = tpu.memref_squeeze %dma_start3A_439 : memref<1x32xi32, #tpu.memory_space<vmem>> -> memref<32xi32, #tpu.memory_space<vmem>>
        %dma_start3A_441 = arith.constant 0 : i32
        %dma_start3A_442 = arith.constant 0 : i32
        %dma_start3A_443 = tpu.memref_slice %arg3[%dma_start3A_441, %dma_start3A_442] : memref<100000x512xf32, #tpu.memory_space<hbm>> -> memref<100000x512xf32, #tpu.memory_space<hbm>>
        tpu.enqueue_indirect_dma source(%dma_start3A_443 : memref<100000x512xf32, #tpu.memory_space<hbm>>) target(%arg10 : memref<32x512xf32, #tpu.memory_space<vmem>>) offsets(%dma_start3A_440 : memref<32xi32, #tpu.memory_space<vmem>>) semaphore(%arg24 : memref<!tpu.dma_semaphore, #tpu.memory_space<semaphore_mem>>)
        %dma_start3A_444 = arith.constant 1 : i32
        %dma_start3A_445 = arith.constant 0 : i32
        %dma_start3A_446 = tpu.memref_slice %arg6[%dma_start3A_444, %dma_start3A_445] : memref<4x32xi32, #tpu.memory_space<vmem>> -> memref<1x32xi32, #tpu.memory_space<vmem>>
        %dma_start3A_447 = tpu.memref_squeeze %dma_start3A_446 : memref<1x32xi32, #tpu.memory_space<vmem>> -> memref<32xi32, #tpu.memory_space<vmem>>
        %dma_start3A_448 = arith.constant 0 : i32
        %dma_start3A_449 = arith.constant 0 : i32
        %dma_start3A_450 = tpu.memref_slice %arg3[%dma_start3A_448, %dma_start3A_449] : memref<100000x512xf32, #tpu.memory_space<hbm>> -> memref<100000x512xf32, #tpu.memory_space<hbm>>
        tpu.enqueue_indirect_dma source(%dma_start3A_450 : memref<100000x512xf32, #tpu.memory_space<hbm>>) target(%arg12 : memref<32x512xf32, #tpu.memory_space<vmem>>) offsets(%dma_start3A_447 : memref<32xi32, #tpu.memory_space<vmem>>) semaphore(%arg24 : memref<!tpu.dma_semaphore, #tpu.memory_space<semaphore_mem>>)
        %dma_start3A_451 = arith.constant 2 : i32
        %dma_start3A_452 = arith.constant 0 : i32
        %dma_start3A_453 = tpu.memref_slice %arg6[%dma_start3A_451, %dma_start3A_452] : memref<4x32xi32, #tpu.memory_space<vmem>> -> memref<1x32xi32, #tpu.memory_space<vmem>>
        %dma_start3A_454 = tpu.memref_squeeze %dma_start3A_453 : memref<1x32xi32, #tpu.memory_space<vmem>> -> memref<32xi32, #tpu.memory_space<vmem>>
        %dma_start3A_455 = arith.constant 0 : i32
        %dma_start3A_456 = arith.constant 0 : i32
        %dma_start3A_457 = tpu.memref_slice %arg4[%dma_start3A_455, %dma_start3A_456] : memref<500x256xf32, #tpu.memory_space<hbm>> -> memref<500x256xf32, #tpu.memory_space<hbm>>
        tpu.enqueue_indirect_dma source(%dma_start3A_457 : memref<500x256xf32, #tpu.memory_space<hbm>>) target(%arg14 : memref<32x256xf32, #tpu.memory_space<vmem>>) offsets(%dma_start3A_454 : memref<32xi32, #tpu.memory_space<vmem>>) semaphore(%arg24 : memref<!tpu.dma_semaphore, #tpu.memory_space<semaphore_mem>>)
      } else {
      }
      %dma_wait3A_350 = arith.constant 0 : i32
      %dma_wait3A_351 = arith.constant 0 : i32
      %dma_wait3A_352 = tpu.memref_slice %arg3[%dma_wait3A_350, %dma_wait3A_351] : memref<100000x512xf32, #tpu.memory_space<hbm>> -> memref<32x512xf32, #tpu.memory_space<hbm>>
      %dma_wait3A_353 = arith.constant 0 : i32
      %dma_wait3A_354 = arith.constant 0 : i32
      %dma_wait3A_355 = tpu.memref_slice %arg3[%dma_wait3A_353, %dma_wait3A_354] : memref<100000x512xf32, #tpu.memory_space<hbm>> -> memref<32x512xf32, #tpu.memory_space<hbm>>
      tpu.wait_dma2 semaphore(%arg25 : memref<!tpu.dma_semaphore, #tpu.memory_space<semaphore_mem>>) src(%dma_wait3A_355 : memref<32x512xf32, #tpu.memory_space<hbm>>) dst(%arg11 : memref<32x512xf32, #tpu.memory_space<vmem>>)
      %dma_wait3A_356 = arith.constant 0 : i32
      %dma_wait3A_357 = arith.constant 0 : i32
      %dma_wait3A_358 = tpu.memref_slice %arg3[%dma_wait3A_356, %dma_wait3A_357] : memref<100000x512xf32, #tpu.memory_space<hbm>> -> memref<32x512xf32, #tpu.memory_space<hbm>>
      %dma_wait3A_359 = arith.constant 0 : i32
      %dma_wait3A_360 = arith.constant 0 : i32
      %dma_wait3A_361 = tpu.memref_slice %arg3[%dma_wait3A_359, %dma_wait3A_360] : memref<100000x512xf32, #tpu.memory_space<hbm>> -> memref<32x512xf32, #tpu.memory_space<hbm>>
      tpu.wait_dma2 semaphore(%arg25 : memref<!tpu.dma_semaphore, #tpu.memory_space<semaphore_mem>>) src(%dma_wait3A_361 : memref<32x512xf32, #tpu.memory_space<hbm>>) dst(%arg13 : memref<32x512xf32, #tpu.memory_space<vmem>>)
      %dma_wait3A_362 = arith.constant 0 : i32
      %dma_wait3A_363 = arith.constant 0 : i32
      %dma_wait3A_364 = tpu.memref_slice %arg4[%dma_wait3A_362, %dma_wait3A_363] : memref<500x256xf32, #tpu.memory_space<hbm>> -> memref<32x256xf32, #tpu.memory_space<hbm>>
      %dma_wait3A_365 = arith.constant 0 : i32
      %dma_wait3A_366 = arith.constant 0 : i32
      %dma_wait3A_367 = tpu.memref_slice %arg4[%dma_wait3A_365, %dma_wait3A_366] : memref<500x256xf32, #tpu.memory_space<hbm>> -> memref<32x256xf32, #tpu.memory_space<hbm>>
      tpu.wait_dma2 semaphore(%arg25 : memref<!tpu.dma_semaphore, #tpu.memory_space<semaphore_mem>>) src(%dma_wait3A_367 : memref<32x256xf32, #tpu.memory_space<hbm>>) dst(%arg15 : memref<32x256xf32, #tpu.memory_space<vmem>>)
      %ge3A_368 = arith.constant 2 : i32
      %ge3A_369 = arith.cmpi sge, %add3A_341, %ge3A_368 : i32
      %convert_element_type3A_370 = arith.extui %ge3A_369 : i1 to i32
      %cond3A_371 = arith.constant 0 : i32
      %cond3A_372 = arith.cmpi ne, %convert_element_type3A_370, %cond3A_371 : i32
      scf.if %cond3A_372 {
        %sub3A_428 = arith.constant 2 : i32
        %sub3A_429 = arith.subi %add3A_342, %sub3A_428 : i32
        %mul3A_430 = arith.constant 32 : i32
        %mul3A_431 = arith.muli %sub3A_429, %mul3A_430 : i32
        %dma_wait3A_432 = tpu.memref_slice %arg5[%mul3A_431] : memref<819200xf32, #tpu.memory_space<hbm>> -> memref<32xf32, #tpu.memory_space<hbm>>
        %dma_wait3A_433 = tpu.memref_slice %arg5[%mul3A_431] : memref<819200xf32, #tpu.memory_space<hbm>> -> memref<32xf32, #tpu.memory_space<hbm>>
        tpu.wait_dma2 semaphore(%arg27 : memref<!tpu.dma_semaphore, #tpu.memory_space<semaphore_mem>>) src(%arg17 : memref<32xf32, #tpu.memory_space<vmem>>) dst(%dma_wait3A_433 : memref<32xf32, #tpu.memory_space<hbm>>)
      } else {
      }
      %mul3A_373 = arith.constant 32 : i32
      %mul3A_374 = arith.muli %add3A_342, %mul3A_373 : i32
      %get3A_375 = arith.constant 0 : i32
      %get3A_376 = arith.index_cast %get3A_375 : i32 to index
      %get3A_377 = arith.constant 0 : index
      %get3A_378 = tpu.vector_load %arg11[%get3A_376, %get3A_377] {strides = array<i32>} : memref<32x512xf32, #tpu.memory_space<vmem>>, vector<16xf32>,
      %get3A_379 = arith.constant 0 : i32
      %get3A_380 = arith.index_cast %get3A_379 : i32 to index
      %get3A_381 = arith.constant 0 : index
      %get3A_382 = tpu.vector_load %arg13[%get3A_380, %get3A_381] {strides = array<i32>} : memref<32x512xf32, #tpu.memory_space<vmem>>, vector<16xf32>,
      %add3A_383 = arith.addf %get3A_378, %get3A_382 : vector<16xf32>
      %get3A_384 = arith.constant 0 : i32
      %get3A_385 = arith.index_cast %get3A_384 : i32 to index
      %get3A_386 = arith.constant 0 : index
      %get3A_387 = tpu.vector_load %arg15[%get3A_385, %get3A_386] {strides = array<i32>} : memref<32x256xf32, #tpu.memory_space<vmem>>, vector<16xf32>,
      %add3A_388 = arith.addf %add3A_383, %get3A_387 : vector<16xf32>
      %get3A_389 = arith.constant 3 : i32
      %get3A_390 = arith.index_cast %get3A_389 : i32 to index
      %get3A_391 = arith.constant 0 : index
      %get3A_392 = tpu.vector_load %arg9[%get3A_390, %get3A_391] {strides = array<i32>} : memref<4x32xi32, #tpu.memory_space<vmem>>, vector<16xi32>,
      %convert_element_type3A_393 = arith.sitofp %get3A_392 : vector<16xi32> to vector<16xf32>
      %add3A_394 = arith.addf %add3A_388, %convert_element_type3A_393 : vector<16xf32>
      %swap3A_395 = arith.constant 0 : index
      %swap3A_396 = tpu.vector_load %arg17[%swap3A_395] {strides = array<i32>} : memref<32xf32, #tpu.memory_space<vmem>>, vector<16xf32>,
      tpu.vector_store %arg17[%swap3A_395], %add3A_394 {strides = array<i32>} : memref<32xf32, #tpu.memory_space<vmem>>, vector<16xf32>,
      %get3A_397 = arith.constant 0 : i32
      %get3A_398 = arith.index_cast %get3A_397 : i32 to index
      %get3A_399 = arith.constant 16 : index
      %get3A_400 = tpu.vector_load %arg11[%get3A_398, %get3A_399] {strides = array<i32>} : memref<32x512xf32, #tpu.memory_space<vmem>>, vector<16xf32>,
      %get3A_401 = arith.constant 0 : i32
      %get3A_402 = arith.index_cast %get3A_401 : i32 to index
      %get3A_403 = arith.constant 16 : index
      %get3A_404 = tpu.vector_load %arg13[%get3A_402, %get3A_403] {strides = array<i32>} : memref<32x512xf32, #tpu.memory_space<vmem>>, vector<16xf32>,
      %add3A_405 = arith.addf %get3A_400, %get3A_404 : vector<16xf32>
      %get3A_406 = arith.constant 0 : i32
      %get3A_407 = arith.index_cast %get3A_406 : i32 to index
      %get3A_408 = arith.constant 16 : index
      %get3A_409 = tpu.vector_load %arg15[%get3A_407, %get3A_408] {strides = array<i32>} : memref<32x256xf32, #tpu.memory_space<vmem>>, vector<16xf32>,
      %add3A_410 = arith.addf %add3A_405, %get3A_409 : vector<16xf32>
      %get3A_411 = arith.constant 3 : i32
      %get3A_412 = arith.index_cast %get3A_411 : i32 to index
      %get3A_413 = arith.constant 16 : index
      %get3A_414 = tpu.vector_load %arg9[%get3A_412, %get3A_413] {strides = array<i32>} : memref<4x32xi32, #tpu.memory_space<vmem>>, vector<16xi32>,
      %convert_element_type3A_415 = arith.sitofp %get3A_414 : vector<16xi32> to vector<16xf32>
      %add3A_416 = arith.addf %add3A_410, %convert_element_type3A_415 : vector<16xf32>
      %swap3A_417 = arith.constant 16 : index
      %swap3A_418 = tpu.vector_load %arg17[%swap3A_417] {strides = array<i32>} : memref<32xf32, #tpu.memory_space<vmem>>, vector<16xf32>,
      tpu.vector_store %arg17[%swap3A_417], %add3A_416 {strides = array<i32>} : memref<32xf32, #tpu.memory_space<vmem>>, vector<16xf32>,
      %dma_start3A_419 = tpu.memref_slice %arg5[%mul3A_374] : memref<819200xf32, #tpu.memory_space<hbm>> -> memref<32xf32, #tpu.memory_space<hbm>>
      %dma_start3A_420 = tpu.memref_slice %arg5[%mul3A_374] : memref<819200xf32, #tpu.memory_space<hbm>> -> memref<32xf32, #tpu.memory_space<hbm>>
      tpu.enqueue_dma source(%arg17 : memref<32xf32, #tpu.memory_space<vmem>>) target(%dma_start3A_420 : memref<32xf32, #tpu.memory_space<hbm>>) target_semaphore(%arg27 : memref<!tpu.dma_semaphore, #tpu.memory_space<semaphore_mem>>)
      %add3A_421 = arith.constant 3 : i32
      %add3A_422 = arith.addi %add3A_341, %add3A_421 : i32
      %lt3A_423 = arith.constant 800 : i32
      %lt3A_424 = arith.cmpi slt, %add3A_422, %lt3A_423 : i32
      %convert_element_type3A_425 = arith.extui %lt3A_424 : i1 to i32
      %cond3A_426 = arith.constant 0 : i32
      %cond3A_427 = arith.cmpi ne, %convert_element_type3A_425, %cond3A_426 : i32
      scf.if %cond3A_427 {
        %add3A_428 = arith.constant 3 : i32
        %add3A_429 = arith.addi %add3A_342, %add3A_428 : i32
        %dma_start3A_430 = arith.constant 0 : i32
        %dma_start3A_431 = arith.constant 0 : i32
        %dma_start3A_432 = tpu.memref_slice %arg2[%add3A_429, %dma_start3A_430, %dma_start3A_431] : memref<25600x4x32xi32, #tpu.memory_space<hbm>> -> memref<1x4x32xi32, #tpu.memory_space<hbm>>
        %dma_start3A_433 = tpu.memref_squeeze %dma_start3A_432 : memref<1x4x32xi32, #tpu.memory_space<hbm>> -> memref<4x32xi32, #tpu.memory_space<hbm>>
        %dma_start3A_434 = arith.constant 0 : i32
        %dma_start3A_435 = arith.constant 0 : i32
        %dma_start3A_436 = tpu.memref_slice %arg2[%add3A_429, %dma_start3A_434, %dma_start3A_435] : memref<25600x4x32xi32, #tpu.memory_space<hbm>> -> memref<1x4x32xi32, #tpu.memory_space<hbm>>
        %dma_start3A_437 = tpu.memref_squeeze %dma_start3A_436 : memref<1x4x32xi32, #tpu.memory_space<hbm>> -> memref<4x32xi32, #tpu.memory_space<hbm>>
        tpu.enqueue_dma source(%dma_start3A_437 : memref<4x32xi32, #tpu.memory_space<hbm>>) target(%arg8 : memref<4x32xi32, #tpu.memory_space<vmem>>) target_semaphore(%arg22 : memref<!tpu.dma_semaphore, #tpu.memory_space<semaphore_mem>>)
      } else {
      }
    }
    %scan3A_65 = arith.constant 200 : i32
    %add3A_66 = arith.constant 800 : i32
    %add3A_67 = arith.addi %mul3A_2, %add3A_66 : i32
    %sub3A = arith.constant 2 : i32
    %sub3A_68 = arith.subi %add3A_67, %sub3A : i32
    %mul3A_69 = arith.constant 32 : i32
    %mul3A_70 = arith.muli %sub3A_68, %mul3A_69 : i32
    %dma_wait3A_71 = tpu.memref_slice %arg5[%mul3A_70] : memref<819200xf32, #tpu.memory_space<hbm>> -> memref<32xf32, #tpu.memory_space<hbm>>
    %dma_wait3A_72 = tpu.memref_slice %arg5[%mul3A_70] : memref<819200xf32, #tpu.memory_space<hbm>> -> memref<32xf32, #tpu.memory_space<hbm>>
    tpu.wait_dma2 semaphore(%arg26 : memref<!tpu.dma_semaphore, #tpu.memory_space<semaphore_mem>>) src(%arg16 : memref<32xf32, #tpu.memory_space<vmem>>) dst(%dma_wait3A_72 : memref<32xf32, #tpu.memory_space<hbm>>)
    %sub3A_73 = arith.constant 1 : i32
    %sub3A_74 = arith.subi %add3A_67, %sub3A_73 : i32
    %mul3A_75 = arith.constant 32 : i32
    %mul3A_76 = arith.muli %sub3A_74, %mul3A_75 : i32
    %dma_wait3A_77 = tpu.memref_slice %arg5[%mul3A_76] : memref<819200xf32, #tpu.memory_space<hbm>> -> memref<32xf32, #tpu.memory_space<hbm>>
    %dma_wait3A_78 = tpu.memref_slice %arg5[%mul3A_76] : memref<819200xf32, #tpu.memory_space<hbm>> -> memref<32xf32, #tpu.memory_space<hbm>>
    tpu.wait_dma2 semaphore(%arg27 : memref<!tpu.dma_semaphore, #tpu.memory_space<semaphore_mem>>) src(%arg17 : memref<32xf32, #tpu.memory_space<vmem>>) dst(%dma_wait3A_78 : memref<32xf32, #tpu.memory_space<hbm>>)
    return
  }
}

</mosaic_0001>

<sc_bundles>
// kernel: kernel.3.cloned.1.call-start
scs
__scs_entry_jumppad:
0x0: {  	(pc) =	sbr.rel $0x88, $3  }
0x1: {  	(tag) =	ssettag $0x0;
	lr =	simm.s32 $0x1  }
0x2: {  	[smem:$0x3F93] =	sst lr;
	_ =	strace $0xD0000000  }
0x3: {  	_ = 	snop  }
0x4: {  	_ = 	snop  }
0x5: {  	_ = 	snop  }
0x6: {  	_ = 	snop  }
0x7: {  	_ = 	snop  }
__scs_overlays_trampoline_lowered:
0x8: {  	[smem:$0x3FA2] =	sst s0  }
0x9: {  	[smem:$0x3FA3] =	sst s1  }
0xa: {  	[smem:$0x3FA4] =	sst s2  }
0xb: {  	[smem:$0x3FA5] =	sst s3  }
0xc: {  	[smem:$0x3FA6] =	sst s4  }
0xd: {  	[smem:$0x3FA7] =	sst s5  }
0xe: {  	[smem:$0x3FA8] =	sst s6  }
0xf: {  	[smem:$0x3FA9] =	sst s7  }
0x10: {  	[smem:$0x3FAA] =	sst s8  }
0x11: {  	[smem:$0x3FAB] =	sst s9;
	s0 =	simm.s32 @!p0 $0x0  }
0x12: {  	s1 =	sld [smem:$0x3F91];
	s0 =	simm.s32 @p0 $0x1  }
0x13: {  	[smem:$0x3FAC] =	sst s0;
	s0 =	simm.s32 @!p1 $0x0  }
0x14: {  	s2 =	sld [smem:$0x3F90];
	s0 =	simm.s32 @p1 $0x1  }
0x15: {  	[smem:$0x3FAD] =	sst s0;
	s0 =	simm.s32 @!p2 $0x0  }
0x16: {  	s3 =	sld [smem:$0x3FDB];
	s0 =	simm.s32 @p2 $0x1  }
0x17: {  	s4 =	simm.s32 $0x1BF5;
	[smem:$0x3FAF] =	sst s0  }
0x18: {  	s0 =	sld [smem:$0x3F92];
	_ =	swait.ge [sflag:s4], $0x0  }
0x19: {  	s7 =	sld [smem:$0x3F93]  }
0x1a: {  	s8 =	sadd.s32 $0xFFFFE003, lr  }
0x1b: {  	s9 =	sadd.s32 $0xFFFFFEF7, lr;
	s5 =	simm.s32 $0xFFFFFFFF;
	p2 =	slt.u32 s8, $0xFFFFF086  }
0x1c: {  	p1 =	slt.u32 s9, $0xF7A;
	s5 =	simm.s32 @!p2 $0x0  }
0x1d: {  	s5 =	simm.s32 @p1 $0x1;
	p0 =	seq.s32 s7, s2  }
0x1e: {  	s7 =	smul.u32 @!p0 $0xF7A, s2;
	p2 =	seq.s32 @!p0 s5, $0x0  }
0x1f: {  	s9 =	smul.u32 $0xF7A, s1;
	s8 =	simm.s32 @!p0 $0x1BF5;
	p2 =	por !p2, p0  }
0x20: {  	[sflag:s8] =	ssyncset.s32 @!p0 $0xFFFFF086;
	s6 =	sadd.s32 @!p0 s3, s7;
	s7 =	simm.s32 @!p0 $0x108  }
0x21: {  	s3 =	sadd.s32 s3, s9;
	s6 =	sadd.s32 @!p0 $0x88, s6;
	s7 =	simm.s32 @p2 $0x1082  }
0x22: {  	[simem:s7], [sflag:s8] =	dma.local @!p0 [hbm:s6], $0xF7A  }
0x23: {  	s9 =	sor.u32 $0xD0000000, s2;
	s6 =	simm.s32 $0x108;
	_ =	swait.ge @!p0 [sflag:s8], $0x0  }
0x24: {  	s3 =	sadd.s32 $0x88, s3;
	s6 =	simm.s32 @!p1 $0x1082;
	[sflag:s4] =	ssyncset.s32 $0xFFFFF086  }
0x25: {  	[simem:s6], [sflag:s4] =	dma.local [hbm:s3], $0xF7A  }
0x26: {  	[smem:$0x3F93] =	sst s1;
	(tag) =	ssettag s2;
	_ =	strace s9  }
0x27: {  	s1 =	sld [smem:$0x3FA3]  }
0x28: {  	s2 =	sld [smem:$0x3FA4]  }
0x29: {  	s4 =	sld [smem:$0x3FA6]  }
0x2a: {  	p0 =	seq.s32 s5, $0x0;
	s5 =	sld [smem:$0x3FA7]  }
0x2b: {  	s6 =	sld [smem:$0x3FA8]  }
0x2c: {  	s7 =	sld [smem:$0x3FA9]  }
0x2d: {  	s3 =	simm.s32 $0x108;
	s8 =	sld [smem:$0x3FAA]  }
0x2e: {  	s3 =	simm.s32 @!p0 $0x1082;
	s9 =	sld [smem:$0x3FAB]  }
0x2f: {  	lr =	sadd.s32 s0, s3;
	s0 =	sld [smem:$0x3FA2]  }
0x30: {  	s3 =	sld [smem:$0x3FA5]  }
0x31: {  	[smem:$0x3FAE] =	sst s10  }
0x32: {  	s10 =	sld [smem:$0x3FAC];
	_ =	sdelay $0x3  }
0x33: {  	p0 =	seq.s32 s10, $0x1;
	s10 =	sld [smem:$0x3FAE];
	_ =	sdelay $0x3  }
0x34: {  	[smem:$0x3FAE] =	sst s10  }
0x35: {  	s10 =	sld [smem:$0x3FAD];
	_ =	sdelay $0x3  }
0x36: {  	p1 =	seq.s32 s10, $0x1;
	s10 =	sld [smem:$0x3FAE];
	_ =	sdelay $0x3  }
0x37: {  	[smem:$0x3FAE] =	sst s10  }
0x38: {  	s10 =	sld [smem:$0x3FAF]  }
0x39: {  	_ = 	snop;
	(pc) =	sbr.ind lr, $3  }
0x3a: {  	_ = 	snop  }
0x3b: {  	_ = 	snop  }
0x3c: {  	p2 =	seq.s32 s10, $0x1;
	s10 =	sld [smem:$0x3FAE]  }
0x3d: {  	_ =	shalt  }
0x3e: {  	_ =	shalt  }
0x3f: {  	_ =	shalt  }
0x40: {  	_ =	shalt  }
0x41: {  	_ =	shalt  }
0x42: {  	_ =	shalt  }
0x43: {  	_ =	shalt  }
0x44: {  	_ =	shalt  }
0x45: {  	_ =	shalt  }
0x46: {  	_ =	shalt  }
0x47: {  	_ =	shalt  }
0x48: {  	_ =	shalt  }
0x49: {  	_ =	shalt  }
0x4a: {  	_ =	shalt  }
0x4b: {  	_ =	shalt  }
0x4c: {  	_ =	shalt  }
0x4d: {  	_ =	shalt  }
0x4e: {  	_ =	shalt  }
0x4f: {  	_ =	shalt  }
0x50: {  	_ =	shalt  }
0x51: {  	_ =	shalt  }
0x52: {  	_ =	shalt  }
0x53: {  	_ =	shalt  }
0x54: {  	_ =	shalt  }
0x55: {  	_ =	shalt  }
0x56: {  	_ =	shalt  }
0x57: {  	_ =	shalt  }
0x58: {  	_ =	shalt  }
0x59: {  	_ =	shalt  }
0x5a: {  	_ =	shalt  }
0x5b: {  	_ =	shalt  }
0x5c: {  	_ =	shalt  }
0x5d: {  	_ =	shalt  }
0x5e: {  	_ =	shalt  }
0x5f: {  	_ =	shalt  }
0x60: {  	_ =	shalt  }
0x61: {  	_ =	shalt  }
0x62: {  	_ =	shalt  }
0x63: {  	_ =	shalt  }
0x64: {  	_ =	shalt  }
0x65: {  	_ =	shalt  }
0x66: {  	_ =	shalt  }
0x67: {  	_ =	shalt  }
0x68: {  	_ =	shalt  }
0x69: {  	_ =	shalt  }
0x6a: {  	_ =	shalt  }
0x6b: {  	_ =	shalt  }
0x6c: {  	_ =	shalt  }
0x6d: {  	_ =	shalt  }
0x6e: {  	_ =	shalt  }
0x6f: {  	_ =	shalt  }
0x70: {  	_ =	shalt  }
0x71: {  	_ =	shalt  }
0x72: {  	_ =	shalt  }
0x73: {  	_ =	shalt  }
0x74: {  	_ =	shalt  }
0x75: {  	_ =	shalt  }
0x76: {  	_ =	shalt  }
0x77: {  	_ =	shalt  }
0x78: {  	_ =	shalt  }
0x79: {  	_ =	shalt  }
0x7a: {  	_ =	shalt  }
0x7b: {  	_ =	shalt  }
0x7c: {  	_ =	shalt  }
0x7d: {  	_ =	shalt  }
0x7e: {  	_ =	shalt  }
0x7f: {  	_ =	shalt  }
0x80: {  	_ =	shalt  }
0x81: {  	_ =	shalt  }
0x82: {  	_ =	shalt  }
0x83: {  	_ =	shalt  }
0x84: {  	_ =	shalt  }
0x85: {  	_ =	shalt  }
0x86: {  	_ =	shalt  }
0x87: {  	_ =	shalt  }
.Lfunc_end0:
.L_simem_size_0:
called_computation_lowered:
.L_overlay_start_0:
0x88: {  	s2 =	sld [smem:$0x3FD9]  }
0x89: {  	s3 =	sld [smem:$0x3FFE];
	_ =	sdelay $0x1  }
0x8a: {  	s1 =	srdreg.scid  }
0x8b: {  	s0 =	sand.u32 $0x1, s1  }
0x8c: {  	s17 =	sshll.u32 s0, $0xA;
	s2 =	sadd.s32 s3, s2  }
0x8d: {  	s2 =	sadd.s32 s2, s17  }
0x8e: {  	[smem:$0x3FBA] =	sst s2  }
0x8f: {  	_ = 	snop  }
0x90: {  	s2 =	sld [smem:$0x3FD0];
	(tm) =	ssettm $0x1  }
0x91: {  	s18 =	sld [smem:$0x3FFB];
	_ =	sdelay $0x3  }
0x92: {  	_ =	strace s18  }
0x93: {  	s3 =	sld [smem:$0x3FFC];
	_ =	sdelay $0x3  }
0x94: {  	_ =	strace s3  }
0x95: {  	s3 =	sld [smem:$0x3FFD];
	_ =	sdelay $0x3  }
0x96: {  	_ =	strace s3  }
0x97: {  	_ =	strace $0x8FFFFFFF  }
0x98: {  	s19 =	sld [smem:$0x3FDB];
	_ =	sdelay $0x1  }
0x99: {  	s4 =	simm.s32 $_scs_section_size  }
0x9a: {  	s5 =	simm.s32 $_size__tile_overlayer_lowered;
	s6 =	simm.s32 $_tile_overlayer_lowered  }
0x9b: {  	s22 =	simm.s32 $0x1BFF;
	s21 =	sshll.u32 s6, $0x1;
	s3 =	sadd.s32 s4, s19  }
0x9c: {  	s7 =	simm.s32 $0x0;
	s20 =	sshll.u32 s5, $0x1;
	s5 =	sadd.s32 s21, s3  }
0x9d: {  	[timem:s7], [sflag:s22] =	dma.local [hbm:s5], s20  }
0x9e: {  	_ =	swait.ge [sflag:s22], s20  }
0x9f: {  	s4 =	ssub.s32 $0x0, s20;
	[sflag:s22] =	ssyncset.done $0x0  }
0xa0: {  	[sflag:s22] =	ssyncadd.s32 s4;
	_ =	sdelay $0x1  }
0xa1: {  	s23 =	simm.s32 $0x1B8B  }
0xa2: {  	_ =	swait.ge [sflag:s23], $0x1  }
0xa3: {  	[sflag:s23] =	ssyncset.done $0x0  }
0xa4: {  	s25 =	simm.s32 $0x1B8E;
	s24 =	sld [smem:$0x3FFE];
	[sflag:s23] =	ssyncadd.s32 $0xFFFFFFFF  }
0xa5: {  	s26 =	simm.s32 $execute0_lowered;
	[smem:$0x3FD2] =	sst s25  }
0xa6: {  	s5 =	sshll.u32 s26, $0x1;
	_ =	strace $0x80000046;
	[dreg:$0x1] =	wrdreg $0xFFFFFFFF  }
0xa7: {  	s28 =	simm.s32 $_size_execute0_lowered;
	s3 =	sadd.s32 s3, s5;
	[dreg:$0x0] =	wrdreg $0x0  }
0xa8: {  	s5 =	sshll.u32 s28, $0x1;
	[dreg:$0x2] =	wrdreg s3  }
0xa9: {  	[dreg:$0x3] =	wrdreg s5  }
0xaa: {  	[dreg:$0x4] =	wrdreg $0xC0  }
0xab: {  	_ =	task [dreg:s7], $0x5FFFF  }
0xac: {  	[dreg:$0x1] =	wrdreg $0xFFFFFFFF  }
0xad: {  	[dreg:$0x0] =	wrdreg $0x60  }
0xae: {  	[dreg:$0x2] =	wrdreg s24  }
0xaf: {  	[dreg:$0x3] =	wrdreg s2  }
0xb0: {  	[dreg:$0x4] =	wrdreg $0x9  }
0xb1: {  	_ =	task.clear_ibuf [dreg:s7], $0x5FFFF;
	_ =	strace $0x90000046  }
0xb2: {  	s29 =	simm.s32 $0x9;
	_ =	strace $0x80000048  }
0xb3: {  	_ =	swait.ge [sflag:s29], $0x1  }
0xb4: {  	[sflag:s29] =	ssyncadd.s32 $0xFFFFFFFF  }
0xb5: {  	_ =	strace $0x90000048  }
0xb6: {  	_ =	sfence  }
0xb7: {  	s30 =	sld [smem:$0x0];
	_ =	sdelay $0x2  }
0xb8: {  	s31 =	sshll.u32 s1, $0xD;
	s1 =	sshrl.u32 s1, $0x2  }
0xb9: {  	s3 =	sand.u32 $0x4000, s31;
	s1 =	sadd.s32 s1, s30  }
0xba: {  	s0 =	sor.u32 s3, s0;
	s1 =	sshll.u32 s1, $0x11  }
0xbb: {  	s0 =	sor.u32 s1, s0  }
0xbc: {  	s0 =	sadd.s32 $0x8F2B, s0  }
0xbd: {  	[sflag:s0] =	ssyncadd.remote.s32 $0x1  }
0xbe: {  	_ =	sfence.sel $0xFFFF  }
0xbf: {  	[dreg:$0x0] =	wrdreg $0xFFFFFFFF;
	(pc) =	sbr.abs _section_cstart, $3  }
0xc0: {  	[dreg:$0x1] =	wrdreg $0xFFFFFFFF  }
0xc1: {  	_ =	task.clear_ibuf [dreg:s7], $0x2FFFF;
	_ =	strace $0x9FFFFFFF  }
0xc2: {  	(tm) =	ssettm $0x7FFFFFFF  }
0xc3: {  	_ =	shalt  }
tec
execute0_lowered:
.L_overlay_start_1:
0x0: {  	(tag) =	ssettag $0x1  }
0x1: {  	s0 =	rddreg [dreg:$0x0]  }
0x2: {  	s1 =	rddreg [dreg:$0x1];
	s2 =	simm.s32 $0x0;
	s3 =	srdreg.scid  }
0x3: {  	s12 =	stileid.u32;
	s28 =	simm.s32 $0x6800;
	s29 =	simm.s32 $0x7000  }
0x4: {  	s30 =	simm.s32 $0x7800;
	s31 =	simm.s32 $0x8000;
	s9 =	smul.u32 $0x19000, s12  }
0x5: {  	s16 =	simm.s32 $0xE000;
	s14 =	simm.s32 $0x12800;
	s19 =	smul.u32 $0x640, s12  }
0x6: {  	[smem:$0x7FF] =	sst s2;
	s5 =	sand.u32 $0x1, s3;
	s23 =	smul.u32 $0x1900, s12  }
0x7: {  	s18 =	sshll.u32 s12, $0x1;
	s6 =	sadd.s32 $0xD05800, s0;
	s11 =	smul.u32 $0x320, s5  }
0x8: {  	s3 =	sadd.s32 $0xE95800, s0;
	s12 =	simm.s32 $0xE800;
	s22 =	smul.u32 $0xC800, s5  }
0x9: {  	s4 =	sor.u32 s5, s18;
	s8 =	ssub.s32 $0x2, s5;
	s5 =	smul.u32 $0xC80, s5  }
0xa: {  	_ =	strace $0x80000047;
	s7 =	smul.u32 $0xC800, s4;
	s10 =	sshrl.u32 s8, $0x1  }
0xb: {  	s4 =	sadd.s32 $0xD01800, s0;
	s10 =	ssub.s32 s8, s10;
	s8 =	sadd.s32 $0xE95900, s0  }
0xc: {  	s13 =	sadd.s32 s6, s7;
	s10 =	smax.u32 s10, $0x1;
	s7 =	sadd.s32 s11, s19  }
0xd: {  	s6 =	sadd.s32 s9, s6;
	s11 =	simm.s32 $0x6;
	[dreg:$0x3] =	wrdreg s13  }
0xe: {  	s9 =	simm.s32 $0xF000;
	s20 =	sadd.s32 $0x40, s13;
	[dreg:$0x6] =	wrdreg s10  }
0xf: {  	s21 =	sadd.s32 $0x80, s13;
	s7 =	sshll.u32 s7, $0x2;
	[dreg:$0x4] =	wrdreg s20  }
0x10: {  	s0 =	sadd.s32 s22, s6;
	s6 =	simm.s32 $0x5;
	[dreg:$0x5] =	wrdreg s21  }
0x11: {  	s13 =	simm.s32 $0xF800;
	s10 =	simm.s32 $0x13000;
	[dreg:$0xa] =	wrdreg s0  }
.Ltmp0:
0x12: {  	s24 =	sadd.s32 s7, s1;
	s1 =	sadd.s32 s23, s1;
	(pc) =	sbr.rel .LBB2_1-.Ltmp0, $4  }
0x13: {  	s23 =	simm.s32 $0x4800;
	s7 =	simm.s32 $0xD800;
	s25 =	sadd.s32 $0x8, s24  }
0x14: {  	v2 =	vlaneseq.u32;
	s0 =	sadd.s32 $0xC, s24;
	s26 =	sadd.s32 s5, s1;
	[dreg:$0x7] =	wrdreg s25  }
0x15: {  	vm0 =	vmmov $0xffff;
	v1 =	vshrl.u32 v2, $0x3;
	s1 =	simm.s32 $0x0;
	s24 =	simm.s32 $0x5000;
	[dreg:$0x8] =	wrdreg s0  }
0x16: {  	v0 =	vand.u32 $0x7, v2;
	v2 =	vor.u32 $0x8, v2;
	v1 =	vmul.u32 $0x8, v1;
	[dreg:$0x9] =	wrdreg s26;
	s25 =	simm.s32 $0x5800;
	s26 =	simm.s32 $0x6000  }
.LBB2_6:
0x17: {  	s0 =	simm.s32 $0x7  }
0x18: {  	_ =	swait.ge [sflag:s0], $0x20  }
0x19: {  	[sflag:s0] =	ssyncset.done $0x0  }
0x1a: {  	s22 =	simm.s32 $0x8;
	[sflag:s0] =	ssyncadd.s32 $0xFFFFFFE0  }
0x1b: {  	_ =	swait.ge [sflag:s22], $0x20  }
0x1c: {  	s1 =	rddreg [dreg:$0xb]  }
0x1d: {  	s15 =	rddreg [dreg:$0x6];
	s1 =	sadd.s32 $0x1, s1  }
0x1e: {  	p0 =	sne.s32 s1, s15  }
.Ltmp1:
0x1f: {  	_ = 	snop;
	(pc) =	sbr.rel @!p0 .LBB2_7-.Ltmp1, $3  }
0x20: {  	_ =	sdelay $0x1  }
0x21: {  	[sflag:s22] =	ssyncset.done $0x0  }
0x22: {  	[sflag:s22] =	ssyncadd.s32 $0xFFFFFFE0  }
.LBB2_1:
0x23: {  	[dreg:$0xb] =	wrdreg s1  }
0x24: {  	s15 =	rddreg [dreg:$0x3]  }
0x25: {  	[tilespmem:s2], [sflag:$0x1] =	stream.linear.gather [hbm4b:s15+s2], $0x200, $0x38;
	[tilespmem:$0x14900] =	vst v63  }
0x26: {  	s5 =	rddreg [dreg:$0x4];
	s17 =	simm.s32 $0x200  }
0x27: {  	[tilespmem:s17], [sflag:$0x2] =	stream.linear.gather [hbm4b:s5+s2], $0x200, $0x38;
	[tilespmem:$0x14900] =	vst v63  }
0x28: {  	s18 =	rddreg [dreg:$0x5];
	s19 =	simm.s32 $0x400;
	s20 =	simm.s32 $0x1  }
0x29: {  	[tilespmem:s19], [sflag:$0x3] =	stream.linear.gather [hbm4b:s18+s2], $0x200, $0x38;
	[tilespmem:$0x14900] =	vst v63  }
0x2a: {  	_ =	swait.ge [sflag:s20], $0x200  }
0x2b: {  	[sflag:s20] =	ssyncset.done $0x0  }
0x2c: {  	[sflag:s20] =	ssyncadd.s32 $0xFFFFFE00  }
0x2d: {  	v3 =	vld [tilespmem:$0x0];
	_ =	sdelay $0x4  }
0x2e: {  	v4 =	vshll.u32 v3, $0x2  }
0x2f: {  	v3 =	vand.u32 $0x7, v3;
	v4 =	vand.u32 $0xFFFFFFE0, v4  }
0x30: {  	v3 =	vor.u32 v3, v4  }
0x31: {  	v4 =	vperm.xlane v3, v0;
	_ =	sdelay $0x1  }
0x32: {  	v4 =	vadd.s32 v1, v4;
	_ =	sdelay $0x1  }
0x33: {  	v3 =	vperm.xlane v3, v2;
	_ =	sdelay $0x1  }
0x34: {  	s21 =	simm.s32 $0x800;
	v3 =	vadd.s32 v1, v3  }
0x35: {  	[tilespmem:s21], [sflag:$0x5] =	stream.indirect_vreg.gather [hbm4b:s3+s2], $0x80, v4, vm0, $0xb8;
	[tilespmem:$0x14900] =	vst v63  }
0x36: {  	s22 =	simm.s32 $0x1000  }
0x37: {  	[tilespmem:s22], [sflag:$0x5] =	stream.indirect_vreg.gather [hbm4b:s8+s2], $0x80, v4, vm0, $0xb8;
	[tilespmem:$0x14900] =	vst v63  }
0x38: {  	s0 =	simm.s32 $0x1800  }
0x39: {  	[tilespmem:s0], [sflag:$0x5] =	stream.indirect_vreg.gather [hbm4b:s3+s2], $0x80, v3, vm0, $0xb8;
	[tilespmem:$0x14900] =	vst v63  }
0x3a: {  	s1 =	simm.s32 $0x2000  }
0x3b: {  	[tilespmem:s1], [sflag:$0x5] =	stream.indirect_vreg.gather [hbm4b:s8+s2], $0x80, v3, vm0, $0xb8;
	[tilespmem:$0x14900] =	vst v63  }
0x3c: {  	v3 =	vld [tilespmem:$0x10];
	_ =	sdelay $0x4  }
0x3d: {  	v59 =	vshll.u32 v3, $0x2  }
0x3e: {  	v3 =	vand.u32 $0x7, v3;
	v4 =	vand.u32 $0xFFFFFFE0, v59  }
0x3f: {  	v3 =	vor.u32 v3, v4  }
0x40: {  	v4 =	vperm.xlane v3, v0;
	_ =	sdelay $0x1  }
0x41: {  	v4 =	vadd.s32 v1, v4;
	_ =	sdelay $0x1  }
0x42: {  	v3 =	vperm.xlane v3, v2;
	_ =	sdelay $0x1  }
0x43: {  	s5 =	simm.s32 $0x2800;
	v3 =	vadd.s32 v1, v3  }
0x44: {  	[tilespmem:s5], [sflag:$0x5] =	stream.indirect_vreg.gather [hbm4b:s3+s2], $0x80, v4, vm0, $0xb8;
	[tilespmem:$0x14900] =	vst v63  }
0x45: {  	s17 =	simm.s32 $0x3000  }
0x46: {  	[tilespmem:s17], [sflag:$0x5] =	stream.indirect_vreg.gather [hbm4b:s8+s2], $0x80, v4, vm0, $0xb8;
	[tilespmem:$0x14900] =	vst v63  }
0x47: {  	s18 =	simm.s32 $0x3800  }
0x48: {  	[tilespmem:s18], [sflag:$0x5] =	stream.indirect_vreg.gather [hbm4b:s3+s2], $0x80, v3, vm0, $0xb8;
	[tilespmem:$0x14900] =	vst v63  }
0x49: {  	s19 =	simm.s32 $0x4000  }
0x4a: {  	[tilespmem:s19], [sflag:$0x5] =	stream.indirect_vreg.gather [hbm4b:s8+s2], $0x80, v3, vm0, $0xb8;
	[tilespmem:$0x14900] =	vst v63  }
0x4b: {  	v3 =	vld [tilespmem:$0x80];
	_ =	sdelay $0x4  }
0x4c: {  	v60 =	vshll.u32 v3, $0x2  }
0x4d: {  	v3 =	vand.u32 $0x7, v3;
	v4 =	vand.u32 $0xFFFFFFE0, v60  }
0x4e: {  	v3 =	vor.u32 v3, v4  }
0x4f: {  	v4 =	vperm.xlane v3, v0;
	_ =	sdelay $0x1  }
0x50: {  	v4 =	vadd.s32 v1, v4;
	_ =	sdelay $0x1  }
0x51: {  	v3 =	vperm.xlane v3, v2;
	_ =	sdelay $0x1  }
0x52: {  	s20 =	simm.s32 $0x8800;
	v3 =	vadd.s32 v1, v3  }
0x53: {  	[tilespmem:s20], [sflag:$0x5] =	stream.indirect_vreg.gather [hbm4b:s3+s2], $0x80, v4, vm0, $0xb8;
	[tilespmem:$0x14900] =	vst v63  }
0x54: {  	s21 =	simm.s32 $0x9000  }
0x55: {  	[tilespmem:s21], [sflag:$0x5] =	stream.indirect_vreg.gather [hbm4b:s8+s2], $0x80, v4, vm0, $0xb8;
	[tilespmem:$0x14900] =	vst v63  }
0x56: {  	s22 =	simm.s32 $0x9800  }
0x57: {  	[tilespmem:s22], [sflag:$0x5] =	stream.indirect_vreg.gather [hbm4b:s3+s2], $0x80, v3, vm0, $0xb8;
	[tilespmem:$0x14900] =	vst v63  }
0x58: {  	s0 =	simm.s32 $0xA000  }
0x59: {  	[tilespmem:s0], [sflag:$0x5] =	stream.indirect_vreg.gather [hbm4b:s8+s2], $0x80, v3, vm0, $0xb8;
	[tilespmem:$0x14900] =	vst v63  }
0x5a: {  	v3 =	vld [tilespmem:$0x90];
	_ =	sdelay $0x4  }
0x5b: {  	v61 =	vshll.u32 v3, $0x2  }
0x5c: {  	v3 =	vand.u32 $0x7, v3;
	v4 =	vand.u32 $0xFFFFFFE0, v61  }
0x5d: {  	v3 =	vor.u32 v3, v4  }
0x5e: {  	v4 =	vperm.xlane v3, v0;
	_ =	sdelay $0x1  }
0x5f: {  	v4 =	vadd.s32 v1, v4;
	_ =	sdelay $0x1  }
0x60: {  	v3 =	vperm.xlane v3, v2;
	_ =	sdelay $0x1  }
0x61: {  	s1 =	simm.s32 $0xA800;
	v3 =	vadd.s32 v1, v3  }
0x62: {  	[tilespmem:s1], [sflag:$0x5] =	stream.indirect_vreg.gather [hbm4b:s3+s2], $0x80, v4, vm0, $0xb8;
	[tilespmem:$0x14900] =	vst v63  }
0x63: {  	s5 =	simm.s32 $0xB000  }
0x64: {  	[tilespmem:s5], [sflag:$0x5] =	stream.indirect_vreg.gather [hbm4b:s8+s2], $0x80, v4, vm0, $0xb8;
	[tilespmem:$0x14900] =	vst v63  }
0x65: {  	s17 =	simm.s32 $0xB800  }
0x66: {  	[tilespmem:s17], [sflag:$0x5] =	stream.indirect_vreg.gather [hbm4b:s3+s2], $0x80, v3, vm0, $0xb8;
	[tilespmem:$0x14900] =	vst v63  }
0x67: {  	s18 =	simm.s32 $0xC000  }
0x68: {  	[tilespmem:s18], [sflag:$0x5] =	stream.indirect_vreg.gather [hbm4b:s8+s2], $0x80, v3, vm0, $0xb8;
	[tilespmem:$0x14900] =	vst v63  }
0x69: {  	v3 =	vld [tilespmem:$0x100];
	_ =	sdelay $0x4  }
0x6a: {  	v62 =	vshll.u32 v3, $0x1  }
0x6b: {  	v3 =	vand.u32 $0x7, v3;
	v4 =	vand.u32 $0xFFFFFFF0, v62  }
0x6c: {  	v3 =	vor.u32 v3, v4  }
0x6d: {  	v4 =	vperm.xlane v3, v0;
	_ =	sdelay $0x1  }
0x6e: {  	v3 =	vperm.xlane v3, v2;
	v4 =	vadd.s32 v1, v4;
	_ =	sdelay $0x1  }
0x6f: {  	v3 =	vadd.s32 v1, v3;
	_ =	sdelay $0x1  }
0x70: {  	s19 =	simm.s32 $0x10800  }
0x71: {  	[tilespmem:s19], [sflag:$0x5] =	stream.indirect_vreg.gather [hbm4b:s4+s2], $0x80, v4, vm0, $0xb8;
	[tilespmem:$0x14900] =	vst v63  }
0x72: {  	s20 =	simm.s32 $0x11000  }
0x73: {  	[tilespmem:s20], [sflag:$0x5] =	stream.indirect_vreg.gather [hbm4b:s4+s2], $0x80, v3, vm0, $0xb8;
	[tilespmem:$0x14900] =	vst v63  }
0x74: {  	v3 =	vld [tilespmem:$0x110];
	_ =	sdelay $0x4  }
0x75: {  	v63 =	vshll.u32 v3, $0x1  }
0x76: {  	v3 =	vand.u32 $0x7, v3;
	v4 =	vand.u32 $0xFFFFFFF0, v63  }
0x77: {  	v3 =	vor.u32 v3, v4  }
0x78: {  	v4 =	vperm.xlane v3, v0;
	_ =	sdelay $0x1  }
0x79: {  	v3 =	vperm.xlane v3, v2;
	v4 =	vadd.s32 v1, v4;
	_ =	sdelay $0x1  }
0x7a: {  	v3 =	vadd.s32 v1, v3  }
0x7b: {  	s15 =	rddreg [dreg:$0x9]  }
0x7c: {  	s21 =	simm.s32 $0x11800;
	s17 =	rddreg [dreg:$0x8]  }
0x7d: {  	[tilespmem:s21], [sflag:$0x5] =	stream.indirect_vreg.gather [hbm4b:s4+s2], $0x80, v4, vm0, $0xb8;
	[tilespmem:$0x14900] =	vst v63  }
0x7e: {  	s22 =	simm.s32 $0x12000;
	s18 =	rddreg [dreg:$0x7];
	s19 =	simm.s32 $0x0  }
0x7f: {  	[tilespmem:s22], [sflag:$0x5] =	stream.indirect_vreg.gather [hbm4b:s4+s2], $0x80, v3, vm0, $0xb8;
	[tilespmem:$0x14900] =	vst v63  }
.LBB2_2:
0x80: {  	s0 =	simm.s32 $0x2  }
0x81: {  	_ =	swait.ge [sflag:s0], $0x200  }
0x82: {  	[sflag:s0] =	ssyncset.done $0x0  }
0x83: {  	[sflag:s0] =	ssyncadd.s32 $0xFFFFFE00  }
0x84: {  	v3 =	vld [tilespmem:$0x200];
	_ =	sdelay $0x4  }
0x85: {  	v4 =	vshll.u32 v3, $0x2  }
0x86: {  	v3 =	vand.u32 $0x7, v3;
	v4 =	vand.u32 $0xFFFFFFE0, v4  }
0x87: {  	v3 =	vor.u32 v3, v4  }
0x88: {  	v4 =	vperm.xlane v3, v0;
	_ =	sdelay $0x1  }
0x89: {  	v4 =	vadd.s32 v1, v4;
	_ =	sdelay $0x1  }
0x8a: {  	v3 =	vperm.xlane v3, v2;
	_ =	sdelay $0x1  }
0x8b: {  	v3 =	vadd.s32 v1, v3  }
0x8c: {  	[tilespmem:s23], [sflag:$0x6] =	stream.indirect_vreg.gather [hbm4b:s3+s2], $0x80, v4, vm0, $0xb8;
	[tilespmem:$0x14900] =	vst v63  }
0x8d: {  	_ = 	snop  }
0x8e: {  	[tilespmem:s24], [sflag:$0x6] =	stream.indirect_vreg.gather [hbm4b:s8+s2], $0x80, v4, vm0, $0xb8;
	[tilespmem:$0x14900] =	vst v63  }
0x8f: {  	_ = 	snop  }
0x90: {  	[tilespmem:s25], [sflag:$0x6] =	stream.indirect_vreg.gather [hbm4b:s3+s2], $0x80, v3, vm0, $0xb8;
	[tilespmem:$0x14900] =	vst v63  }
0x91: {  	_ = 	snop  }
0x92: {  	[tilespmem:s26], [sflag:$0x6] =	stream.indirect_vreg.gather [hbm4b:s8+s2], $0x80, v3, vm0, $0xb8;
	[tilespmem:$0x14900] =	vst v63  }
0x93: {  	v3 =	vld [tilespmem:$0x210];
	_ =	sdelay $0x4  }
0x94: {  	v23 =	vshll.u32 v3, $0x2  }
0x95: {  	v3 =	vand.u32 $0x7, v3;
	v4 =	vand.u32 $0xFFFFFFE0, v23  }
0x96: {  	v3 =	vor.u32 v3, v4  }
0x97: {  	v4 =	vperm.xlane v3, v0;
	_ =	sdelay $0x1  }
0x98: {  	v4 =	vadd.s32 v1, v4;
	_ =	sdelay $0x1  }
0x99: {  	v3 =	vperm.xlane v3, v2;
	_ =	sdelay $0x1  }
0x9a: {  	v3 =	vadd.s32 v1, v3  }
0x9b: {  	[tilespmem:s28], [sflag:$0x6] =	stream.indirect_vreg.gather [hbm4b:s3+s2], $0x80, v4, vm0, $0xb8;
	[tilespmem:$0x14900] =	vst v63  }
0x9c: {  	_ = 	snop  }
0x9d: {  	[tilespmem:s29], [sflag:$0x6] =	stream.indirect_vreg.gather [hbm4b:s8+s2], $0x80, v4, vm0, $0xb8;
	[tilespmem:$0x14900] =	vst v63  }
0x9e: {  	_ = 	snop  }
0x9f: {  	[tilespmem:s30], [sflag:$0x6] =	stream.indirect_vreg.gather [hbm4b:s3+s2], $0x80, v3, vm0, $0xb8;
	[tilespmem:$0x14900] =	vst v63  }
0xa0: {  	_ = 	snop  }
0xa1: {  	[tilespmem:s31], [sflag:$0x6] =	stream.indirect_vreg.gather [hbm4b:s8+s2], $0x80, v3, vm0, $0xb8;
	[tilespmem:$0x14900] =	vst v63  }
0xa2: {  	v3 =	vld [tilespmem:$0x280];
	_ =	sdelay $0x4  }
0xa3: {  	v24 =	vshll.u32 v3, $0x2  }
0xa4: {  	v3 =	vand.u32 $0x7, v3;
	v4 =	vand.u32 $0xFFFFFFE0, v24  }
0xa5: {  	v3 =	vor.u32 v3, v4  }
0xa6: {  	v4 =	vperm.xlane v3, v0;
	_ =	sdelay $0x1  }
0xa7: {  	v4 =	vadd.s32 v1, v4;
	_ =	sdelay $0x1  }
0xa8: {  	v3 =	vperm.xlane v3, v2;
	_ =	sdelay $0x1  }
0xa9: {  	s21 =	simm.s32 $0xC800;
	v3 =	vadd.s32 v1, v3  }
0xaa: {  	[tilespmem:s21], [sflag:$0x6] =	stream.indirect_vreg.gather [hbm4b:s3+s2], $0x80, v4, vm0, $0xb8;
	[tilespmem:$0x14900] =	vst v63  }
0xab: {  	s22 =	simm.s32 $0xD000  }
0xac: {  	[tilespmem:s22], [sflag:$0x6] =	stream.indirect_vreg.gather [hbm4b:s8+s2], $0x80, v4, vm0, $0xb8;
	[tilespmem:$0x14900] =	vst v63  }
0xad: {  	_ = 	snop  }
0xae: {  	[tilespmem:s7], [sflag:$0x6] =	stream.indirect_vreg.gather [hbm4b:s3+s2], $0x80, v3, vm0, $0xb8;
	[tilespmem:$0x14900] =	vst v63  }
0xaf: {  	_ = 	snop  }
0xb0: {  	[tilespmem:s16], [sflag:$0x6] =	stream.indirect_vreg.gather [hbm4b:s8+s2], $0x80, v3, vm0, $0xb8;
	[tilespmem:$0x14900] =	vst v63  }
0xb1: {  	v3 =	vld [tilespmem:$0x290];
	_ =	sdelay $0x4  }
0xb2: {  	v25 =	vshll.u32 v3, $0x2  }
0xb3: {  	v3 =	vand.u32 $0x7, v3;
	v4 =	vand.u32 $0xFFFFFFE0, v25  }
0xb4: {  	v3 =	vor.u32 v3, v4  }
0xb5: {  	v4 =	vperm.xlane v3, v0;
	_ =	sdelay $0x1  }
0xb6: {  	v4 =	vadd.s32 v1, v4;
	_ =	sdelay $0x1  }
0xb7: {  	v3 =	vperm.xlane v3, v2;
	_ =	sdelay $0x1  }
0xb8: {  	v3 =	vadd.s32 v1, v3  }
0xb9: {  	[tilespmem:s12], [sflag:$0x6] =	stream.indirect_vreg.gather [hbm4b:s3+s2], $0x80, v4, vm0, $0xb8;
	[tilespmem:$0x14900] =	vst v63  }
0xba: {  	_ = 	snop  }
0xbb: {  	[tilespmem:s9], [sflag:$0x6] =	stream.indirect_vreg.gather [hbm4b:s8+s2], $0x80, v4, vm0, $0xb8;
	[tilespmem:$0x14900] =	vst v63  }
0xbc: {  	_ = 	snop  }
0xbd: {  	[tilespmem:s13], [sflag:$0x6] =	stream.indirect_vreg.gather [hbm4b:s3+s2], $0x80, v3, vm0, $0xb8;
	[tilespmem:$0x14900] =	vst v63  }
0xbe: {  	s5 =	simm.s32 $0x10000  }
0xbf: {  	[tilespmem:s5], [sflag:$0x6] =	stream.indirect_vreg.gather [hbm4b:s8+s2], $0x80, v3, vm0, $0xb8;
	[tilespmem:$0x14900] =	vst v63  }
0xc0: {  	v3 =	vld [tilespmem:$0x300];
	_ =	sdelay $0x4  }
0xc1: {  	v26 =	vshll.u32 v3, $0x1  }
0xc2: {  	v3 =	vand.u32 $0x7, v3;
	v4 =	vand.u32 $0xFFFFFFF0, v26  }
0xc3: {  	v3 =	vor.u32 v3, v4  }
0xc4: {  	v4 =	vperm.xlane v3, v0;
	_ =	sdelay $0x1  }
0xc5: {  	v3 =	vperm.xlane v3, v2;
	v4 =	vadd.s32 v1, v4;
	_ =	sdelay $0x1  }
0xc6: {  	v3 =	vadd.s32 v1, v3;
	_ =	sdelay $0x2  }
0xc7: {  	[tilespmem:s14], [sflag:$0x6] =	stream.indirect_vreg.gather [hbm4b:s4+s2], $0x80, v4, vm0, $0xb8;
	[tilespmem:$0x14900] =	vst v63  }
0xc8: {  	_ = 	snop  }
0xc9: {  	[tilespmem:s10], [sflag:$0x6] =	stream.indirect_vreg.gather [hbm4b:s4+s2], $0x80, v3, vm0, $0xb8;
	[tilespmem:$0x14900] =	vst v63  }
0xca: {  	v3 =	vld [tilespmem:$0x310];
	_ =	sdelay $0x4  }
0xcb: {  	v27 =	vshll.u32 v3, $0x1  }
0xcc: {  	v3 =	vand.u32 $0x7, v3;
	v4 =	vand.u32 $0xFFFFFFF0, v27  }
0xcd: {  	v3 =	vor.u32 v3, v4  }
0xce: {  	v4 =	vperm.xlane v3, v0;
	_ =	sdelay $0x1  }
0xcf: {  	v3 =	vperm.xlane v3, v2;
	v4 =	vadd.s32 v1, v4;
	_ =	sdelay $0x1  }
0xd0: {  	v3 =	vadd.s32 v1, v3;
	_ =	sdelay $0x1  }
0xd1: {  	s1 =	simm.s32 $0x13800  }
0xd2: {  	[tilespmem:s1], [sflag:$0x6] =	stream.indirect_vreg.gather [hbm4b:s4+s2], $0x80, v4, vm0, $0xb8;
	[tilespmem:$0x14900] =	vst v63  }
0xd3: {  	s20 =	simm.s32 $0x14000  }
0xd4: {  	[tilespmem:s20], [sflag:$0x6] =	stream.indirect_vreg.gather [hbm4b:s4+s2], $0x80, v3, vm0, $0xb8;
	[tilespmem:$0x14900] =	vst v63  }
0xd5: {  	_ =	swait.ge [sflag:s6], $0x4000  }
0xd6: {  	[sflag:s6] =	ssyncset.done $0x0  }
0xd7: {  	[sflag:s6] =	ssyncadd.s32 $0xFFFFC000  }
0xd8: {  	_ =	swait.ge [sflag:s6], $0x4000  }
0xd9: {  	[sflag:s6] =	ssyncset.done $0x0  }
0xda: {  	[sflag:s6] =	ssyncadd.s32 $0xFFFFC000  }
0xdb: {  	_ =	swait.ge [sflag:s6], $0x2000  }
0xdc: {  	p0 =	seq.s32 s19, $0x0;
	[sflag:s6] =	ssyncset.done $0x0  }
0xdd: {  	s20 =	simm.s32 @!p0 $0x7;
	[sflag:s6] =	ssyncadd.s32 $0xFFFFE000  }
0xde: {  	_ =	swait.ge @!p0 [sflag:s20], $0x20  }
0xdf: {  	[sflag:s20] =	ssyncset.done @!p0 $0x0  }
0xe0: {  	[sflag:s20] =	ssyncadd.s32 @!p0 $0xFFFFFFE0  }
0xe1: {  	v3 =	vld [tilespmem:$0x800]  }
0xe2: {  	v28 =	vld [tilespmem:$0x8800]  }
0xe3: {  	v5 =	vld [tilespmem:$0x10800]  }
0xe4: {  	v6 =	vld [tilespmem:$0x180]  }
0xe5: {  	v7 =	vld [tilespmem:$0x810]  }
0xe6: {  	v8 =	vld [tilespmem:$0x8810]  }
0xe7: {  	v9 =	vld [tilespmem:$0x10810]  }
0xe8: {  	v10 =	vld [tilespmem:$0x190];
	_ =	sdelay $0x1  }
0xe9: {  	v3 =	vadd.f32 v28, v3  }
0xea: {  	v29 =	vadd.f32 v8, v7  }
0xeb: {  	v30 =	vcvt.s32.f32 v6;
	v3 =	vadd.f32 v5, v3  }
0xec: {  	v31 =	vcvt.s32.f32 v10;
	v4 =	vadd.f32 v9, v29  }
0xed: {  	v3 =	vadd.f32 v30, v3  }
0xee: {  	v4 =	vadd.f32 v31, v4  }
0xef: {  	s22 =	rddreg [dreg:$0xa];
	[tilespmem:$0x14800] =	vst v3  }
0xf0: {  	s0 =	simm.s32 $0x14800;
	s20 =	sadd.s32 s19, s22;
	[tilespmem:$0x14810] =	vst v4  }
0xf1: {  	[hbm4b:s15+s2] =	stream.linear.scatter [tilespmem:s0], [sflag:$0x7], $0x20, $0x38;
	[tilespmem:$0x14900] =	vst v63  }
0xf2: {  	s1 =	simm.s32 $0x600;
	s21 =	sadd.s32 $0xC0, s20  }
0xf3: {  	[tilespmem:s1], [sflag:$0x4] =	stream.linear.gather [hbm4b:s21+s2], $0x200, $0x38;
	[tilespmem:$0x14900] =	vst v63  }
0xf4: {  	s21 =	simm.s32 $0x3  }
0xf5: {  	_ =	swait.ge [sflag:s21], $0x200  }
0xf6: {  	[sflag:s21] =	ssyncset.done $0x0  }
0xf7: {  	[sflag:s21] =	ssyncadd.s32 $0xFFFFFE00  }
0xf8: {  	v3 =	vld [tilespmem:$0x400];
	_ =	sdelay $0x4  }
0xf9: {  	v32 =	vshll.u32 v3, $0x2  }
0xfa: {  	v3 =	vand.u32 $0x7, v3;
	v4 =	vand.u32 $0xFFFFFFE0, v32  }
0xfb: {  	v3 =	vor.u32 v3, v4  }
0xfc: {  	v4 =	vperm.xlane v3, v0;
	_ =	sdelay $0x1  }
0xfd: {  	v4 =	vadd.s32 v1, v4;
	_ =	sdelay $0x1  }
0xfe: {  	v3 =	vperm.xlane v3, v2;
	_ =	sdelay $0x1  }
0xff: {  	s1 =	simm.s32 $0x800;
	v3 =	vadd.s32 v1, v3  }
0x100: {  	[tilespmem:s1], [sflag:$0x5] =	stream.indirect_vreg.gather [hbm4b:s3+s2], $0x80, v4, vm0, $0xb8;
	[tilespmem:$0x14900] =	vst v63  }
0x101: {  	s1 =	simm.s32 $0x1000  }
0x102: {  	[tilespmem:s1], [sflag:$0x5] =	stream.indirect_vreg.gather [hbm4b:s8+s2], $0x80, v4, vm0, $0xb8;
	[tilespmem:$0x14900] =	vst v63  }
0x103: {  	s1 =	simm.s32 $0x1800  }
0x104: {  	[tilespmem:s1], [sflag:$0x5] =	stream.indirect_vreg.gather [hbm4b:s3+s2], $0x80, v3, vm0, $0xb8;
	[tilespmem:$0x14900] =	vst v63  }
0x105: {  	s1 =	simm.s32 $0x2000  }
0x106: {  	[tilespmem:s1], [sflag:$0x5] =	stream.indirect_vreg.gather [hbm4b:s8+s2], $0x80, v3, vm0, $0xb8;
	[tilespmem:$0x14900] =	vst v63  }
0x107: {  	v3 =	vld [tilespmem:$0x410];
	_ =	sdelay $0x4  }
0x108: {  	v33 =	vshll.u32 v3, $0x2  }
0x109: {  	v3 =	vand.u32 $0x7, v3;
	v4 =	vand.u32 $0xFFFFFFE0, v33  }
0x10a: {  	v3 =	vor.u32 v3, v4  }
0x10b: {  	v4 =	vperm.xlane v3, v0;
	_ =	sdelay $0x1  }
0x10c: {  	v4 =	vadd.s32 v1, v4;
	_ =	sdelay $0x1  }
0x10d: {  	v3 =	vperm.xlane v3, v2;
	_ =	sdelay $0x1  }
0x10e: {  	s1 =	simm.s32 $0x2800;
	v3 =	vadd.s32 v1, v3  }
0x10f: {  	[tilespmem:s1], [sflag:$0x5] =	stream.indirect_vreg.gather [hbm4b:s3+s2], $0x80, v4, vm0, $0xb8;
	[tilespmem:$0x14900] =	vst v63  }
0x110: {  	s1 =	simm.s32 $0x3000  }
0x111: {  	[tilespmem:s1], [sflag:$0x5] =	stream.indirect_vreg.gather [hbm4b:s8+s2], $0x80, v4, vm0, $0xb8;
	[tilespmem:$0x14900] =	vst v63  }
0x112: {  	s1 =	simm.s32 $0x3800  }
0x113: {  	[tilespmem:s1], [sflag:$0x5] =	stream.indirect_vreg.gather [hbm4b:s3+s2], $0x80, v3, vm0, $0xb8;
	[tilespmem:$0x14900] =	vst v63  }
0x114: {  	s1 =	simm.s32 $0x4000  }
0x115: {  	[tilespmem:s1], [sflag:$0x5] =	stream.indirect_vreg.gather [hbm4b:s8+s2], $0x80, v3, vm0, $0xb8;
	[tilespmem:$0x14900] =	vst v63  }
0x116: {  	v3 =	vld [tilespmem:$0x480];
	_ =	sdelay $0x4  }
0x117: {  	v34 =	vshll.u32 v3, $0x2  }
0x118: {  	v3 =	vand.u32 $0x7, v3;
	v4 =	vand.u32 $0xFFFFFFE0, v34  }
0x119: {  	v3 =	vor.u32 v3, v4  }
0x11a: {  	v4 =	vperm.xlane v3, v0;
	_ =	sdelay $0x1  }
0x11b: {  	v4 =	vadd.s32 v1, v4;
	_ =	sdelay $0x1  }
0x11c: {  	v3 =	vperm.xlane v3, v2;
	_ =	sdelay $0x1  }
0x11d: {  	s1 =	simm.s32 $0x8800;
	v3 =	vadd.s32 v1, v3  }
0x11e: {  	[tilespmem:s1], [sflag:$0x5] =	stream.indirect_vreg.gather [hbm4b:s3+s2], $0x80, v4, vm0, $0xb8;
	[tilespmem:$0x14900] =	vst v63  }
0x11f: {  	s1 =	simm.s32 $0x9000  }
0x120: {  	[tilespmem:s1], [sflag:$0x5] =	stream.indirect_vreg.gather [hbm4b:s8+s2], $0x80, v4, vm0, $0xb8;
	[tilespmem:$0x14900] =	vst v63  }
0x121: {  	s1 =	simm.s32 $0x9800  }
0x122: {  	[tilespmem:s1], [sflag:$0x5] =	stream.indirect_vreg.gather [hbm4b:s3+s2], $0x80, v3, vm0, $0xb8;
	[tilespmem:$0x14900] =	vst v63  }
0x123: {  	s1 =	simm.s32 $0xA000  }
0x124: {  	[tilespmem:s1], [sflag:$0x5] =	stream.indirect_vreg.gather [hbm4b:s8+s2], $0x80, v3, vm0, $0xb8;
	[tilespmem:$0x14900] =	vst v63  }
0x125: {  	v3 =	vld [tilespmem:$0x490];
	_ =	sdelay $0x4  }
0x126: {  	v35 =	vshll.u32 v3, $0x2  }
0x127: {  	v3 =	vand.u32 $0x7, v3;
	v4 =	vand.u32 $0xFFFFFFE0, v35  }
0x128: {  	v3 =	vor.u32 v3, v4  }
0x129: {  	v4 =	vperm.xlane v3, v0;
	_ =	sdelay $0x1  }
0x12a: {  	v4 =	vadd.s32 v1, v4;
	_ =	sdelay $0x1  }
0x12b: {  	v3 =	vperm.xlane v3, v2;
	_ =	sdelay $0x1  }
0x12c: {  	s1 =	simm.s32 $0xA800;
	v3 =	vadd.s32 v1, v3  }
0x12d: {  	[tilespmem:s1], [sflag:$0x5] =	stream.indirect_vreg.gather [hbm4b:s3+s2], $0x80, v4, vm0, $0xb8;
	[tilespmem:$0x14900] =	vst v63  }
0x12e: {  	s1 =	simm.s32 $0xB000  }
0x12f: {  	[tilespmem:s1], [sflag:$0x5] =	stream.indirect_vreg.gather [hbm4b:s8+s2], $0x80, v4, vm0, $0xb8;
	[tilespmem:$0x14900] =	vst v63  }
0x130: {  	s1 =	simm.s32 $0xB800  }
0x131: {  	[tilespmem:s1], [sflag:$0x5] =	stream.indirect_vreg.gather [hbm4b:s3+s2], $0x80, v3, vm0, $0xb8;
	[tilespmem:$0x14900] =	vst v63  }
0x132: {  	s1 =	simm.s32 $0xC000  }
0x133: {  	[tilespmem:s1], [sflag:$0x5] =	stream.indirect_vreg.gather [hbm4b:s8+s2], $0x80, v3, vm0, $0xb8;
	[tilespmem:$0x14900] =	vst v63  }
0x134: {  	v3 =	vld [tilespmem:$0x500];
	_ =	sdelay $0x4  }
0x135: {  	v36 =	vshll.u32 v3, $0x1  }
0x136: {  	v3 =	vand.u32 $0x7, v3;
	v4 =	vand.u32 $0xFFFFFFF0, v36  }
0x137: {  	v3 =	vor.u32 v3, v4  }
0x138: {  	v4 =	vperm.xlane v3, v0;
	_ =	sdelay $0x1  }
0x139: {  	v3 =	vperm.xlane v3, v2;
	v4 =	vadd.s32 v1, v4;
	_ =	sdelay $0x1  }
0x13a: {  	v3 =	vadd.s32 v1, v3;
	_ =	sdelay $0x1  }
0x13b: {  	s1 =	simm.s32 $0x10800  }
0x13c: {  	[tilespmem:s1], [sflag:$0x5] =	stream.indirect_vreg.gather [hbm4b:s4+s2], $0x80, v4, vm0, $0xb8;
	[tilespmem:$0x14900] =	vst v63  }
0x13d: {  	s1 =	simm.s32 $0x11000  }
0x13e: {  	[tilespmem:s1], [sflag:$0x5] =	stream.indirect_vreg.gather [hbm4b:s4+s2], $0x80, v3, vm0, $0xb8;
	[tilespmem:$0x14900] =	vst v63  }
0x13f: {  	v3 =	vld [tilespmem:$0x510];
	_ =	sdelay $0x4  }
0x140: {  	v37 =	vshll.u32 v3, $0x1  }
0x141: {  	v3 =	vand.u32 $0x7, v3;
	v4 =	vand.u32 $0xFFFFFFF0, v37  }
0x142: {  	v3 =	vor.u32 v3, v4  }
0x143: {  	v4 =	vperm.xlane v3, v0;
	_ =	sdelay $0x1  }
0x144: {  	v3 =	vperm.xlane v3, v2;
	v4 =	vadd.s32 v1, v4;
	_ =	sdelay $0x1  }
0x145: {  	v3 =	vadd.s32 v1, v3;
	_ =	sdelay $0x1  }
0x146: {  	s1 =	simm.s32 $0x11800  }
0x147: {  	[tilespmem:s1], [sflag:$0x5] =	stream.indirect_vreg.gather [hbm4b:s4+s2], $0x80, v4, vm0, $0xb8;
	[tilespmem:$0x14900] =	vst v63  }
0x148: {  	s1 =	simm.s32 $0x12000  }
0x149: {  	[tilespmem:s1], [sflag:$0x5] =	stream.indirect_vreg.gather [hbm4b:s4+s2], $0x80, v3, vm0, $0xb8;
	[tilespmem:$0x14900] =	vst v63  }
0x14a: {  	_ =	swait.ge [sflag:s11], $0x4000  }
0x14b: {  	[sflag:s11] =	ssyncset.done $0x0  }
0x14c: {  	[sflag:s11] =	ssyncadd.s32 $0xFFFFC000  }
0x14d: {  	_ =	swait.ge [sflag:s11], $0x4000  }
0x14e: {  	[sflag:s11] =	ssyncset.done $0x0  }
0x14f: {  	[sflag:s11] =	ssyncadd.s32 $0xFFFFC000  }
0x150: {  	_ =	swait.ge [sflag:s11], $0x2000  }
0x151: {  	[sflag:s11] =	ssyncset.done $0x0  }
0x152: {  	s21 =	simm.s32 @!p0 $0x8;
	[sflag:s11] =	ssyncadd.s32 $0xFFFFE000  }
0x153: {  	_ =	swait.ge @!p0 [sflag:s21], $0x20  }
0x154: {  	[sflag:s21] =	ssyncset.done @!p0 $0x0  }
0x155: {  	[sflag:s21] =	ssyncadd.s32 @!p0 $0xFFFFFFE0  }
0x156: {  	v3 =	vld [tilespmem:$0x4800]  }
0x157: {  	v38 =	vld [tilespmem:$0xC800]  }
0x158: {  	v39 =	vld [tilespmem:$0x12800]  }
0x159: {  	v40 =	vld [tilespmem:$0x380]  }
0x15a: {  	v41 =	vld [tilespmem:$0x4810]  }
0x15b: {  	v42 =	vld [tilespmem:$0xC810]  }
0x15c: {  	v43 =	vld [tilespmem:$0x12810]  }
0x15d: {  	v44 =	vld [tilespmem:$0x390];
	_ =	sdelay $0x1  }
0x15e: {  	v3 =	vadd.f32 v38, v3  }
0x15f: {  	v45 =	vadd.f32 v42, v41  }
0x160: {  	v46 =	vcvt.s32.f32 v40;
	v3 =	vadd.f32 v39, v3  }
0x161: {  	v47 =	vcvt.s32.f32 v44;
	v4 =	vadd.f32 v43, v45  }
0x162: {  	v3 =	vadd.f32 v46, v3  }
0x163: {  	v4 =	vadd.f32 v47, v4  }
0x164: {  	[tilespmem:$0x14880] =	vst v3  }
0x165: {  	s1 =	simm.s32 $0x14880;
	s21 =	sadd.s32 $0xFFFFFFF8, s17;
	p0 =	seq.s32 s19, $0xC700;
	[tilespmem:$0x14890] =	vst v4  }
0x166: {  	[hbm4b:s21+s2] =	stream.linear.scatter [tilespmem:s1], [sflag:$0x8], $0x20, $0x38;
	[tilespmem:$0x14900] =	vst v63  }
0x167: {  	s21 =	sadd.s32 @!p0 s19, s22  }
0x168: {  	s22 =	simm.s32 @!p0 $0x0;
	s21 =	sadd.s32 @!p0 $0x100, s21  }
0x169: {  	[tilespmem:s22], [sflag:$0x1] =	stream.linear.gather @!p0 [hbm4b:s21+s22], $0x200, $0x38;
	[tilespmem:$0x14900] =	vst v63  }
0x16a: {  	s22 =	simm.s32 $0x4  }
0x16b: {  	_ =	swait.ge [sflag:s22], $0x200  }
0x16c: {  	[sflag:s22] =	ssyncset.done $0x0  }
0x16d: {  	[sflag:s22] =	ssyncadd.s32 $0xFFFFFE00  }
0x16e: {  	v3 =	vld [tilespmem:$0x600];
	_ =	sdelay $0x4  }
0x16f: {  	v48 =	vshll.u32 v3, $0x2  }
0x170: {  	v3 =	vand.u32 $0x7, v3;
	v4 =	vand.u32 $0xFFFFFFE0, v48  }
0x171: {  	v3 =	vor.u32 v3, v4  }
0x172: {  	v4 =	vperm.xlane v3, v0;
	_ =	sdelay $0x1  }
0x173: {  	v4 =	vadd.s32 v1, v4;
	_ =	sdelay $0x1  }
0x174: {  	v3 =	vperm.xlane v3, v2;
	_ =	sdelay $0x1  }
0x175: {  	v3 =	vadd.s32 v1, v3  }
0x176: {  	[tilespmem:s23], [sflag:$0x6] =	stream.indirect_vreg.gather [hbm4b:s3+s2], $0x80, v4, vm0, $0xb8;
	[tilespmem:$0x14900] =	vst v63  }
0x177: {  	_ = 	snop  }
0x178: {  	[tilespmem:s24], [sflag:$0x6] =	stream.indirect_vreg.gather [hbm4b:s8+s2], $0x80, v4, vm0, $0xb8;
	[tilespmem:$0x14900] =	vst v63  }
0x179: {  	_ = 	snop  }
0x17a: {  	[tilespmem:s25], [sflag:$0x6] =	stream.indirect_vreg.gather [hbm4b:s3+s2], $0x80, v3, vm0, $0xb8;
	[tilespmem:$0x14900] =	vst v63  }
0x17b: {  	_ = 	snop  }
0x17c: {  	[tilespmem:s26], [sflag:$0x6] =	stream.indirect_vreg.gather [hbm4b:s8+s2], $0x80, v3, vm0, $0xb8;
	[tilespmem:$0x14900] =	vst v63  }
0x17d: {  	v3 =	vld [tilespmem:$0x610];
	_ =	sdelay $0x4  }
0x17e: {  	v49 =	vshll.u32 v3, $0x2  }
0x17f: {  	v3 =	vand.u32 $0x7, v3;
	v4 =	vand.u32 $0xFFFFFFE0, v49  }
0x180: {  	v3 =	vor.u32 v3, v4  }
0x181: {  	v4 =	vperm.xlane v3, v0;
	_ =	sdelay $0x1  }
0x182: {  	v4 =	vadd.s32 v1, v4;
	_ =	sdelay $0x1  }
0x183: {  	v3 =	vperm.xlane v3, v2;
	_ =	sdelay $0x1  }
0x184: {  	v3 =	vadd.s32 v1, v3  }
0x185: {  	[tilespmem:s28], [sflag:$0x6] =	stream.indirect_vreg.gather [hbm4b:s3+s2], $0x80, v4, vm0, $0xb8;
	[tilespmem:$0x14900] =	vst v63  }
0x186: {  	_ = 	snop  }
0x187: {  	[tilespmem:s29], [sflag:$0x6] =	stream.indirect_vreg.gather [hbm4b:s8+s2], $0x80, v4, vm0, $0xb8;
	[tilespmem:$0x14900] =	vst v63  }
0x188: {  	_ = 	snop  }
0x189: {  	[tilespmem:s30], [sflag:$0x6] =	stream.indirect_vreg.gather [hbm4b:s3+s2], $0x80, v3, vm0, $0xb8;
	[tilespmem:$0x14900] =	vst v63  }
0x18a: {  	_ = 	snop  }
0x18b: {  	[tilespmem:s31], [sflag:$0x6] =	stream.indirect_vreg.gather [hbm4b:s8+s2], $0x80, v3, vm0, $0xb8;
	[tilespmem:$0x14900] =	vst v63  }
0x18c: {  	v3 =	vld [tilespmem:$0x680];
	_ =	sdelay $0x4  }
0x18d: {  	v50 =	vshll.u32 v3, $0x2  }
0x18e: {  	v3 =	vand.u32 $0x7, v3;
	v4 =	vand.u32 $0xFFFFFFE0, v50  }
0x18f: {  	v3 =	vor.u32 v3, v4  }
0x190: {  	v4 =	vperm.xlane v3, v0;
	_ =	sdelay $0x1  }
0x191: {  	v4 =	vadd.s32 v1, v4;
	_ =	sdelay $0x1  }
0x192: {  	v3 =	vperm.xlane v3, v2;
	_ =	sdelay $0x1  }
0x193: {  	s22 =	simm.s32 $0xC800;
	v3 =	vadd.s32 v1, v3  }
0x194: {  	[tilespmem:s22], [sflag:$0x6] =	stream.indirect_vreg.gather [hbm4b:s3+s2], $0x80, v4, vm0, $0xb8;
	[tilespmem:$0x14900] =	vst v63  }
0x195: {  	s22 =	simm.s32 $0xD000  }
0x196: {  	[tilespmem:s22], [sflag:$0x6] =	stream.indirect_vreg.gather [hbm4b:s8+s2], $0x80, v4, vm0, $0xb8;
	[tilespmem:$0x14900] =	vst v63  }
0x197: {  	_ = 	snop  }
0x198: {  	[tilespmem:s7], [sflag:$0x6] =	stream.indirect_vreg.gather [hbm4b:s3+s2], $0x80, v3, vm0, $0xb8;
	[tilespmem:$0x14900] =	vst v63  }
0x199: {  	_ = 	snop  }
0x19a: {  	[tilespmem:s16], [sflag:$0x6] =	stream.indirect_vreg.gather [hbm4b:s8+s2], $0x80, v3, vm0, $0xb8;
	[tilespmem:$0x14900] =	vst v63  }
0x19b: {  	v3 =	vld [tilespmem:$0x690];
	_ =	sdelay $0x4  }
0x19c: {  	v51 =	vshll.u32 v3, $0x2  }
0x19d: {  	v3 =	vand.u32 $0x7, v3;
	v4 =	vand.u32 $0xFFFFFFE0, v51  }
0x19e: {  	v3 =	vor.u32 v3, v4  }
0x19f: {  	v4 =	vperm.xlane v3, v0;
	_ =	sdelay $0x1  }
0x1a0: {  	v4 =	vadd.s32 v1, v4;
	_ =	sdelay $0x1  }
0x1a1: {  	v3 =	vperm.xlane v3, v2;
	_ =	sdelay $0x1  }
0x1a2: {  	v3 =	vadd.s32 v1, v3  }
0x1a3: {  	[tilespmem:s12], [sflag:$0x6] =	stream.indirect_vreg.gather [hbm4b:s3+s2], $0x80, v4, vm0, $0xb8;
	[tilespmem:$0x14900] =	vst v63  }
0x1a4: {  	_ = 	snop  }
0x1a5: {  	[tilespmem:s9], [sflag:$0x6] =	stream.indirect_vreg.gather [hbm4b:s8+s2], $0x80, v4, vm0, $0xb8;
	[tilespmem:$0x14900] =	vst v63  }
0x1a6: {  	_ = 	snop  }
0x1a7: {  	[tilespmem:s13], [sflag:$0x6] =	stream.indirect_vreg.gather [hbm4b:s3+s2], $0x80, v3, vm0, $0xb8;
	[tilespmem:$0x14900] =	vst v63  }
0x1a8: {  	_ = 	snop  }
0x1a9: {  	[tilespmem:s5], [sflag:$0x6] =	stream.indirect_vreg.gather [hbm4b:s8+s2], $0x80, v3, vm0, $0xb8;
	[tilespmem:$0x14900] =	vst v63  }
0x1aa: {  	v3 =	vld [tilespmem:$0x700];
	_ =	sdelay $0x4  }
0x1ab: {  	v52 =	vshll.u32 v3, $0x1  }
0x1ac: {  	v3 =	vand.u32 $0x7, v3;
	v4 =	vand.u32 $0xFFFFFFF0, v52  }
0x1ad: {  	v3 =	vor.u32 v3, v4  }
0x1ae: {  	v4 =	vperm.xlane v3, v0;
	_ =	sdelay $0x1  }
0x1af: {  	v3 =	vperm.xlane v3, v2;
	v4 =	vadd.s32 v1, v4;
	_ =	sdelay $0x1  }
0x1b0: {  	v3 =	vadd.s32 v1, v3;
	_ =	sdelay $0x2  }
0x1b1: {  	[tilespmem:s14], [sflag:$0x6] =	stream.indirect_vreg.gather [hbm4b:s4+s2], $0x80, v4, vm0, $0xb8;
	[tilespmem:$0x14900] =	vst v63  }
0x1b2: {  	_ = 	snop  }
0x1b3: {  	[tilespmem:s10], [sflag:$0x6] =	stream.indirect_vreg.gather [hbm4b:s4+s2], $0x80, v3, vm0, $0xb8;
	[tilespmem:$0x14900] =	vst v63  }
0x1b4: {  	v3 =	vld [tilespmem:$0x710];
	_ =	sdelay $0x4  }
0x1b5: {  	v53 =	vshll.u32 v3, $0x1  }
0x1b6: {  	v3 =	vand.u32 $0x7, v3;
	v4 =	vand.u32 $0xFFFFFFF0, v53  }
0x1b7: {  	v3 =	vor.u32 v3, v4  }
0x1b8: {  	v4 =	vperm.xlane v3, v0;
	_ =	sdelay $0x1  }
0x1b9: {  	v3 =	vperm.xlane v3, v2;
	v4 =	vadd.s32 v1, v4;
	_ =	sdelay $0x1  }
0x1ba: {  	v3 =	vadd.s32 v1, v3;
	_ =	sdelay $0x1  }
0x1bb: {  	s22 =	simm.s32 $0x13800  }
0x1bc: {  	[tilespmem:s22], [sflag:$0x6] =	stream.indirect_vreg.gather [hbm4b:s4+s2], $0x80, v4, vm0, $0xb8;
	[tilespmem:$0x14900] =	vst v63  }
0x1bd: {  	s21 =	simm.s32 $0x14000  }
0x1be: {  	[tilespmem:s21], [sflag:$0x6] =	stream.indirect_vreg.gather [hbm4b:s4+s2], $0x80, v3, vm0, $0xb8;
	[tilespmem:$0x14900] =	vst v63  }
0x1bf: {  	_ =	swait.ge [sflag:s6], $0x4000  }
0x1c0: {  	[sflag:s6] =	ssyncset.done $0x0  }
0x1c1: {  	[sflag:s6] =	ssyncadd.s32 $0xFFFFC000  }
0x1c2: {  	_ =	swait.ge [sflag:s6], $0x4000  }
0x1c3: {  	[sflag:s6] =	ssyncset.done $0x0  }
0x1c4: {  	[sflag:s6] =	ssyncadd.s32 $0xFFFFC000  }
0x1c5: {  	_ =	swait.ge [sflag:s6], $0x2000  }
0x1c6: {  	[sflag:s6] =	ssyncset.done $0x0  }
0x1c7: {  	s22 =	simm.s32 $0x7;
	[sflag:s6] =	ssyncadd.s32 $0xFFFFE000  }
0x1c8: {  	_ =	swait.ge [sflag:s22], $0x20  }
0x1c9: {  	[sflag:s22] =	ssyncset.done $0x0  }
0x1ca: {  	[sflag:s22] =	ssyncadd.s32 $0xFFFFFFE0  }
0x1cb: {  	v3 =	vld [tilespmem:$0x800]  }
0x1cc: {  	v54 =	vld [tilespmem:$0x8800]  }
0x1cd: {  	v55 =	vld [tilespmem:$0x10800]  }
0x1ce: {  	v56 =	vld [tilespmem:$0x580]  }
0x1cf: {  	v57 =	vld [tilespmem:$0x810]  }
0x1d0: {  	v58 =	vld [tilespmem:$0x8810]  }
0x1d1: {  	v59 =	vld [tilespmem:$0x10810]  }
0x1d2: {  	v60 =	vld [tilespmem:$0x590];
	_ =	sdelay $0x1  }
0x1d3: {  	v3 =	vadd.f32 v54, v3  }
0x1d4: {  	v61 =	vadd.f32 v58, v57  }
0x1d5: {  	v62 =	vcvt.s32.f32 v56;
	v3 =	vadd.f32 v55, v3  }
0x1d6: {  	v63 =	vcvt.s32.f32 v60;
	v4 =	vadd.f32 v59, v61  }
.Ltmp2:
0x1d7: {  	v3 =	vadd.f32 v62, v3;
	(pc) =	sbr.rel @p0 .LBB2_4-.Ltmp2, $4  }
0x1d8: {  	v4 =	vadd.f32 v63, v4  }
0x1d9: {  	[tilespmem:$0x14800] =	vst v3  }
0x1da: {  	[tilespmem:$0x14810] =	vst v4  }
0x1db: {  	[hbm4b:s18+s2] =	stream.linear.scatter [tilespmem:s0], [sflag:$0x7], $0x20, $0x38;
	[tilespmem:$0x14900] =	vst v63  }
0x1dc: {  	s21 =	sadd.s32 $0x140, s20;
	s22 =	simm.s32 $0x200;
	s0 =	simm.s32 $0x1  }
0x1dd: {  	[tilespmem:s22], [sflag:$0x2] =	stream.linear.gather [hbm4b:s21+s2], $0x200, $0x38;
	[tilespmem:$0x14900] =	vst v63  }
0x1de: {  	_ =	swait.ge [sflag:s0], $0x200  }
0x1df: {  	[sflag:s0] =	ssyncset.done $0x0  }
0x1e0: {  	[sflag:s0] =	ssyncadd.s32 $0xFFFFFE00  }
0x1e1: {  	v3 =	vld [tilespmem:$0x0];
	_ =	sdelay $0x4  }
0x1e2: {  	v4 =	vshll.u32 v3, $0x2  }
0x1e3: {  	v3 =	vand.u32 $0x7, v3;
	v4 =	vand.u32 $0xFFFFFFE0, v4  }
0x1e4: {  	v3 =	vor.u32 v3, v4  }
0x1e5: {  	v4 =	vperm.xlane v3, v0;
	_ =	sdelay $0x1  }
0x1e6: {  	v4 =	vadd.s32 v1, v4;
	_ =	sdelay $0x1  }
0x1e7: {  	v3 =	vperm.xlane v3, v2;
	_ =	sdelay $0x1  }
0x1e8: {  	s5 =	simm.s32 $0x800;
	v3 =	vadd.s32 v1, v3  }
0x1e9: {  	[tilespmem:s5], [sflag:$0x5] =	stream.indirect_vreg.gather [hbm4b:s3+s2], $0x80, v4, vm0, $0xb8;
	[tilespmem:$0x14900] =	vst v63  }
0x1ea: {  	s22 =	simm.s32 $0x1000  }
0x1eb: {  	[tilespmem:s22], [sflag:$0x5] =	stream.indirect_vreg.gather [hbm4b:s8+s2], $0x80, v4, vm0, $0xb8;
	[tilespmem:$0x14900] =	vst v63  }
0x1ec: {  	s0 =	simm.s32 $0x1800  }
0x1ed: {  	[tilespmem:s0], [sflag:$0x5] =	stream.indirect_vreg.gather [hbm4b:s3+s2], $0x80, v3, vm0, $0xb8;
	[tilespmem:$0x14900] =	vst v63  }
0x1ee: {  	s5 =	simm.s32 $0x2000  }
0x1ef: {  	[tilespmem:s5], [sflag:$0x5] =	stream.indirect_vreg.gather [hbm4b:s8+s2], $0x80, v3, vm0, $0xb8;
	[tilespmem:$0x14900] =	vst v63  }
0x1f0: {  	v3 =	vld [tilespmem:$0x10];
	_ =	sdelay $0x4  }
0x1f1: {  	v59 =	vshll.u32 v3, $0x2  }
0x1f2: {  	v3 =	vand.u32 $0x7, v3;
	v4 =	vand.u32 $0xFFFFFFE0, v59  }
0x1f3: {  	v3 =	vor.u32 v3, v4  }
0x1f4: {  	v4 =	vperm.xlane v3, v0;
	_ =	sdelay $0x1  }
0x1f5: {  	v4 =	vadd.s32 v1, v4;
	_ =	sdelay $0x1  }
0x1f6: {  	v3 =	vperm.xlane v3, v2;
	_ =	sdelay $0x1  }
0x1f7: {  	s22 =	simm.s32 $0x2800;
	v3 =	vadd.s32 v1, v3  }
0x1f8: {  	[tilespmem:s22], [sflag:$0x5] =	stream.indirect_vreg.gather [hbm4b:s3+s2], $0x80, v4, vm0, $0xb8;
	[tilespmem:$0x14900] =	vst v63  }
0x1f9: {  	s0 =	simm.s32 $0x3000  }
0x1fa: {  	[tilespmem:s0], [sflag:$0x5] =	stream.indirect_vreg.gather [hbm4b:s8+s2], $0x80, v4, vm0, $0xb8;
	[tilespmem:$0x14900] =	vst v63  }
0x1fb: {  	s5 =	simm.s32 $0x3800  }
0x1fc: {  	[tilespmem:s5], [sflag:$0x5] =	stream.indirect_vreg.gather [hbm4b:s3+s2], $0x80, v3, vm0, $0xb8;
	[tilespmem:$0x14900] =	vst v63  }
0x1fd: {  	s22 =	simm.s32 $0x4000  }
0x1fe: {  	[tilespmem:s22], [sflag:$0x5] =	stream.indirect_vreg.gather [hbm4b:s8+s2], $0x80, v3, vm0, $0xb8;
	[tilespmem:$0x14900] =	vst v63  }
0x1ff: {  	v3 =	vld [tilespmem:$0x80];
	_ =	sdelay $0x4  }
0x200: {  	v60 =	vshll.u32 v3, $0x2  }
0x201: {  	v3 =	vand.u32 $0x7, v3;
	v4 =	vand.u32 $0xFFFFFFE0, v60  }
0x202: {  	v3 =	vor.u32 v3, v4  }
0x203: {  	v4 =	vperm.xlane v3, v0;
	_ =	sdelay $0x1  }
0x204: {  	v4 =	vadd.s32 v1, v4;
	_ =	sdelay $0x1  }
0x205: {  	v3 =	vperm.xlane v3, v2;
	_ =	sdelay $0x1  }
0x206: {  	s0 =	simm.s32 $0x8800;
	v3 =	vadd.s32 v1, v3  }
0x207: {  	[tilespmem:s0], [sflag:$0x5] =	stream.indirect_vreg.gather [hbm4b:s3+s2], $0x80, v4, vm0, $0xb8;
	[tilespmem:$0x14900] =	vst v63  }
0x208: {  	s5 =	simm.s32 $0x9000  }
0x209: {  	[tilespmem:s5], [sflag:$0x5] =	stream.indirect_vreg.gather [hbm4b:s8+s2], $0x80, v4, vm0, $0xb8;
	[tilespmem:$0x14900] =	vst v63  }
0x20a: {  	s22 =	simm.s32 $0x9800  }
0x20b: {  	[tilespmem:s22], [sflag:$0x5] =	stream.indirect_vreg.gather [hbm4b:s3+s2], $0x80, v3, vm0, $0xb8;
	[tilespmem:$0x14900] =	vst v63  }
0x20c: {  	s0 =	simm.s32 $0xA000  }
0x20d: {  	[tilespmem:s0], [sflag:$0x5] =	stream.indirect_vreg.gather [hbm4b:s8+s2], $0x80, v3, vm0, $0xb8;
	[tilespmem:$0x14900] =	vst v63  }
0x20e: {  	v3 =	vld [tilespmem:$0x90];
	_ =	sdelay $0x4  }
0x20f: {  	v61 =	vshll.u32 v3, $0x2  }
0x210: {  	v3 =	vand.u32 $0x7, v3;
	v4 =	vand.u32 $0xFFFFFFE0, v61  }
0x211: {  	v3 =	vor.u32 v3, v4  }
0x212: {  	v4 =	vperm.xlane v3, v0;
	_ =	sdelay $0x1  }
0x213: {  	v4 =	vadd.s32 v1, v4;
	_ =	sdelay $0x1  }
0x214: {  	v3 =	vperm.xlane v3, v2;
	_ =	sdelay $0x1  }
0x215: {  	s5 =	simm.s32 $0xA800;
	v3 =	vadd.s32 v1, v3  }
0x216: {  	[tilespmem:s5], [sflag:$0x5] =	stream.indirect_vreg.gather [hbm4b:s3+s2], $0x80, v4, vm0, $0xb8;
	[tilespmem:$0x14900] =	vst v63  }
0x217: {  	s22 =	simm.s32 $0xB000  }
0x218: {  	[tilespmem:s22], [sflag:$0x5] =	stream.indirect_vreg.gather [hbm4b:s8+s2], $0x80, v4, vm0, $0xb8;
	[tilespmem:$0x14900] =	vst v63  }
0x219: {  	s0 =	simm.s32 $0xB800  }
0x21a: {  	[tilespmem:s0], [sflag:$0x5] =	stream.indirect_vreg.gather [hbm4b:s3+s2], $0x80, v3, vm0, $0xb8;
	[tilespmem:$0x14900] =	vst v63  }
0x21b: {  	s5 =	simm.s32 $0xC000  }
0x21c: {  	[tilespmem:s5], [sflag:$0x5] =	stream.indirect_vreg.gather [hbm4b:s8+s2], $0x80, v3, vm0, $0xb8;
	[tilespmem:$0x14900] =	vst v63  }
0x21d: {  	v3 =	vld [tilespmem:$0x100];
	_ =	sdelay $0x4  }
0x21e: {  	v62 =	vshll.u32 v3, $0x1  }
0x21f: {  	v3 =	vand.u32 $0x7, v3;
	v4 =	vand.u32 $0xFFFFFFF0, v62  }
0x220: {  	v3 =	vor.u32 v3, v4  }
0x221: {  	v4 =	vperm.xlane v3, v0;
	_ =	sdelay $0x1  }
0x222: {  	v3 =	vperm.xlane v3, v2;
	v4 =	vadd.s32 v1, v4;
	_ =	sdelay $0x1  }
0x223: {  	v3 =	vadd.s32 v1, v3;
	_ =	sdelay $0x1  }
0x224: {  	s22 =	simm.s32 $0x10800  }
0x225: {  	[tilespmem:s22], [sflag:$0x5] =	stream.indirect_vreg.gather [hbm4b:s4+s2], $0x80, v4, vm0, $0xb8;
	[tilespmem:$0x14900] =	vst v63  }
0x226: {  	s0 =	simm.s32 $0x11000  }
0x227: {  	[tilespmem:s0], [sflag:$0x5] =	stream.indirect_vreg.gather [hbm4b:s4+s2], $0x80, v3, vm0, $0xb8;
	[tilespmem:$0x14900] =	vst v63  }
0x228: {  	v3 =	vld [tilespmem:$0x110];
	_ =	sdelay $0x4  }
0x229: {  	v63 =	vshll.u32 v3, $0x1  }
0x22a: {  	v3 =	vand.u32 $0x7, v3;
	v4 =	vand.u32 $0xFFFFFFF0, v63  }
0x22b: {  	v3 =	vor.u32 v3, v4  }
0x22c: {  	v4 =	vperm.xlane v3, v0;
	_ =	sdelay $0x1  }
0x22d: {  	v3 =	vperm.xlane v3, v2;
	v4 =	vadd.s32 v1, v4;
	_ =	sdelay $0x1  }
0x22e: {  	v3 =	vadd.s32 v1, v3;
	_ =	sdelay $0x1  }
0x22f: {  	s5 =	simm.s32 $0x11800  }
0x230: {  	[tilespmem:s5], [sflag:$0x5] =	stream.indirect_vreg.gather [hbm4b:s4+s2], $0x80, v4, vm0, $0xb8;
	[tilespmem:$0x14900] =	vst v63  }
0x231: {  	s22 =	simm.s32 $0x12000  }
0x232: {  	[tilespmem:s22], [sflag:$0x5] =	stream.indirect_vreg.gather [hbm4b:s4+s2], $0x80, v3, vm0, $0xb8;
	[tilespmem:$0x14900] =	vst v63  }
.LBB2_4:
0x233: {  	_ =	swait.ge [sflag:s11], $0x4000  }
0x234: {  	[sflag:s11] =	ssyncset.done $0x0  }
0x235: {  	[sflag:s11] =	ssyncadd.s32 $0xFFFFC000  }
0x236: {  	_ =	swait.ge [sflag:s11], $0x4000  }
0x237: {  	[sflag:s11] =	ssyncset.done $0x0  }
0x238: {  	[sflag:s11] =	ssyncadd.s32 $0xFFFFC000  }
0x239: {  	_ =	swait.ge [sflag:s11], $0x2000  }
0x23a: {  	[sflag:s11] =	ssyncset.done $0x0  }
0x23b: {  	s0 =	simm.s32 $0x8;
	[sflag:s11] =	ssyncadd.s32 $0xFFFFE000  }
0x23c: {  	_ =	swait.ge [sflag:s0], $0x20  }
0x23d: {  	[sflag:s0] =	ssyncset.done $0x0  }
0x23e: {  	[sflag:s0] =	ssyncadd.s32 $0xFFFFFFE0  }
0x23f: {  	v3 =	vld [tilespmem:$0x4800]  }
0x240: {  	v4 =	vld [tilespmem:$0xC800]  }
0x241: {  	v5 =	vld [tilespmem:$0x12800]  }
0x242: {  	v6 =	vld [tilespmem:$0x780]  }
0x243: {  	v7 =	vld [tilespmem:$0x4810]  }
0x244: {  	v8 =	vld [tilespmem:$0xC810]  }
0x245: {  	v9 =	vld [tilespmem:$0x12810]  }
0x246: {  	v10 =	vld [tilespmem:$0x790];
	_ =	sdelay $0x1  }
0x247: {  	v3 =	vadd.f32 v4, v3  }
0x248: {  	v61 =	vadd.f32 v8, v7  }
0x249: {  	v62 =	vcvt.s32.f32 v6;
	v3 =	vadd.f32 v5, v3  }
0x24a: {  	v63 =	vcvt.s32.f32 v10;
	v4 =	vadd.f32 v9, v61  }
.Ltmp3:
0x24b: {  	v3 =	vadd.f32 v62, v3;
	(pc) =	sbr.rel @p0 .LBB2_6-.Ltmp3, $4  }
0x24c: {  	v4 =	vadd.f32 v63, v4  }
0x24d: {  	[tilespmem:$0x14880] =	vst v3  }
0x24e: {  	[tilespmem:$0x14890] =	vst v4  }
0x24f: {  	[hbm4b:s17+s2] =	stream.linear.scatter [tilespmem:s1], [sflag:$0x8], $0x20, $0x38;
	[tilespmem:$0x14900] =	vst v63  }
.Ltmp4:
0x250: {  	(pc) =	sbr.rel .LBB2_2-.Ltmp4, $4  }
0x251: {  	_ = 	snop  }
0x252: {  	s20 =	sadd.s32 $0x180, s20;
	s21 =	simm.s32 $0x400;
	s19 =	sadd.s32 $0x100, s19  }
0x253: {  	s18 =	sadd.s32 $0x10, s18;
	s17 =	sadd.s32 $0x10, s17;
	s15 =	sadd.s32 $0x10, s15  }
0x254: {  	[tilespmem:s21], [sflag:$0x3] =	stream.linear.gather [hbm4b:s20+s2], $0x200, $0x38;
	[tilespmem:$0x14900] =	vst v63  }
.LBB2_7:
0x255: {  	_ =	sfence.sel $0x180000  }
0x256: {  	[bflag:$0x0] =	sbarrier.arrive $0xFFFF  }
0x257: {  	_ =	strace $0x90000047  }
0x258: {  	s0 =	stileid.u32;
	[bflag:$0x2] =	sbarrier.arrive $0xFFFF  }
0x259: {  	p0 =	sne.s32 s0, $0x0;
	s0 =	rddreg [dreg:$0x2]  }
0x25a: {  	s0 =	sadd.s32 @!p0 $0x100000, s0  }
0x25b: {  	[sflag:s0] =	ssyncadd.tile.s32 @!p0 $0x1;
	_ =	shalt  }
.Lfunc_end2:
_tile_overlayer_lowered:
.L_overlay_start_2:
0x25c: {  	(tag) =	ssettag $0x2  }
0x25d: {  	s0 =	rddreg [dreg:$0x0];
	s2 =	stileid.u32  }
0x25e: {  	s1 =	rddreg [dreg:$0x1];
	p0 =	sne.s32 s2, $0x0  }
0x25f: {  	s3 =	rddreg [dreg:$0x2];
	[bflag:$0x3] =	sbarrier.arrive $0xFFFF;
	s2 =	simm.s32 @!p0 $0x1C09  }
0x260: {  	[timem:s3], [sflag:s2] =	dma.local @!p0 [hbm:s0], s1  }
0x261: {  	s0 =	simm.s32 @!p0 $0x9  }
0x262: {  	_ =	swait.ge @!p0 [sflag:s0], s1  }
0x263: {  	s1 =	ssub.s32 @!p0 $0x0, s1;
	[sflag:s0] =	ssyncset.done @!p0 $0x0  }
0x264: {  	[sflag:s0] =	ssyncadd.s32 @!p0 s1  }
0x265: {  	[bflag:$0x3] =	sbarrier.arrive $0xFFFF  }
0x266: {  	_ =	shalt  }

</sc_bundles>
